<compile_context>
chip_gen: v7x
topology: tpu7x:2x2x1
jax: 0.10.2.dev20260603
libtpu: 0.0.44.dev20260713+nightly
codegen_flags: <defaults>
</compile_context>

<pallas_src>
import functools

import jax
import jax.numpy as jnp
from jax import lax
from jax.experimental import pallas as pl
from jax.experimental.pallas import tpu as pltpu
from jax.experimental.pallas import tpu_sc as plsc

N = 10000
E = 320000
C = 128
DE = 16
FF = 512

NC = 2
NS = 16
NW = NC * NS
L = 16

CK = 80
E_PAD = 327680
EPT = E_PAD // NW
NCHUNK = EPT // CK
SCK = 8
NSC = NCHUNK // SCK
N_PAD = 10240
NPT = N_PAD // NS

NB = 400
NGRID = N // NB
EB = 8000
EGRID = E // EB

_f32 = jnp.float32



def _pre_body(x_ref, w_ref, as_ref, ad_ref, h_ref, asrc_ref, adst_ref):
    h = jnp.dot(x_ref[...], w_ref[...], preferred_element_type=_f32)
    h_ref[...] = h
    asrc_ref[...] = jnp.sum(h * as_ref[...], axis=1, keepdims=True)
    adst_ref[...] = jnp.sum(h * ad_ref[...], axis=1, keepdims=True)


def _pre(x, W, att_src_row, att_dst_row):
    return pl.pallas_call(
        _pre_body,
        grid=(NGRID,),
        in_specs=[
            pl.BlockSpec((NB, C), lambda i: (i, 0)),
            pl.BlockSpec((C, C), lambda i: (0, 0)),
            pl.BlockSpec((1, C), lambda i: (0, 0)),
            pl.BlockSpec((1, C), lambda i: (0, 0)),
        ],
        out_specs=[
            pl.BlockSpec((NB, C), lambda i: (i, 0)),
            pl.BlockSpec((NB, 1), lambda i: (i, 0)),
            pl.BlockSpec((NB, 1), lambda i: (i, 0)),
        ],
        out_shape=[
            jax.ShapeDtypeStruct((N, C), _f32),
            jax.ShapeDtypeStruct((N, 1), _f32),
            jax.ShapeDtypeStruct((N, 1), _f32),
        ],
    )(x, W, att_src_row, att_dst_row)


def _edge_body(ea_ref, lew_ref, ae_ref, aedge_ref):
    we = jnp.sum(lew_ref[...] * ae_ref[...], axis=1, keepdims=True)
    aedge_ref[...] = jnp.dot(ea_ref[...], we, preferred_element_type=_f32)


def _edge(edge_attr, lin_edge_W, att_edge_row):
    return pl.pallas_call(
        _edge_body,
        grid=(EGRID,),
        in_specs=[
            pl.BlockSpec((EB, DE), lambda i: (i, 0)),
            pl.BlockSpec((DE, C), lambda i: (0, 0)),
            pl.BlockSpec((1, C), lambda i: (0, 0)),
        ],
        out_specs=pl.BlockSpec((EB, 1), lambda i: (i, 0)),
        out_shape=jax.ShapeDtypeStruct((E, 1), _f32),
    )(edge_attr, lin_edge_W, att_edge_row)



@functools.partial(
    pl.kernel,
    out_type=(
        jax.ShapeDtypeStruct((N_PAD,), _f32),
        jax.ShapeDtypeStruct((N_PAD,), _f32),
        jax.ShapeDtypeStruct((N_PAD, C), _f32),
        jax.ShapeDtypeStruct((N_PAD, C), _f32),
    ),
    mesh=plsc.VectorSubcoreMesh(core_axis_name="c", subcore_axis_name="s"),
    compiler_params=pltpu.CompilerParams(needs_layout_passes=False),
    scratch_types=(
        pltpu.VMEM((N,), _f32),
        pltpu.VMEM((N,), _f32),
        pltpu.VMEM((3, CK), jnp.int32),
        pltpu.VMEM((3, CK), jnp.int32),
        pltpu.VMEM((CK,), _f32),
        pltpu.VMEM((CK, C), _f32),
        pltpu.VMEM((CK, C), _f32),
        pltpu.VMEM_SHARED((N_PAD,), _f32),
        pltpu.VMEM_SHARED((N_PAD, C), _f32),
        pltpu.SemaphoreType.DMA,
        pltpu.SemaphoreType.DMA,
        pltpu.SemaphoreType.DMA,
        pltpu.SemaphoreType.DMA,
    ),
)
def _sc_gat(h_hbm, packed_hbm, asrc_hbm, adst_hbm, z1_hbm, z2_hbm,
            den0_hbm, den1_hbm, out0_hbm, out1_hbm,
            asrc_v, adst_v, pk_a, pk_b, ex_v, rows_a, rows_b,
            den_sh, out_sh, sem_ga, sem_gb, sem_pa, sem_pb):
    cid = lax.axis_index("c")
    sid = lax.axis_index("s")
    wid = sid * NC + cid

    pltpu.sync_copy(z1_hbm, den_sh.at[pl.ds(sid * NPT, NPT)])
    pltpu.sync_copy(z2_hbm, out_sh.at[pl.ds(sid * NPT, NPT)])
    pltpu.sync_copy(asrc_hbm, asrc_v)
    pltpu.sync_copy(adst_hbm, adst_v)

    pltpu.sync_copy(packed_hbm.at[wid, 0], pk_a)
    pltpu.async_copy(h_hbm.at[pk_a.at[0]], rows_a, sem_ga)
    plsc.subcore_barrier()

    def _half(c, pk_cur, rows_cur, sem_cur, pk_nxt, rows_nxt, sem_nxt):
        cn = jnp.minimum(c + 1, NCHUNK - 1)
        pltpu.sync_copy(packed_hbm.at[wid, cn], pk_nxt)
        pltpu.async_copy(h_hbm.at[pk_nxt.at[0]], rows_nxt, sem_nxt)

        for g in range(CK // L):
            s_idx = pk_cur[0, pl.ds(g * L, L)]
            d_idx = pk_cur[1, pl.ds(g * L, L)]
            ab = plsc.bitcast(pk_cur[2, pl.ds(g * L, L)], _f32)
            a = (plsc.load_gather(asrc_v, [s_idx])
                 + plsc.load_gather(adst_v, [d_idx]) + ab)
            a = jnp.where(a > 0.0, a, 0.2 * a)
            ex_v[pl.ds(g * L, L)] = jnp.exp(a)
        pltpu.sync_copy(ex_v, den_sh.at[pk_cur.at[1]], add=True)

        pltpu.make_async_copy(h_hbm.at[pk_cur.at[0]], rows_cur, sem_cur).wait()

        @plsc.parallel_loop(0, CK, 1, unroll=4)
        def _scale(e):
            w = plsc.load_gather(ex_v, [jnp.full((L,), e, jnp.int32)])
            for j in range(C // L):
                rows_cur[e, pl.ds(j * L, L)] = rows_cur[e, pl.ds(j * L, L)] * w

        pltpu.sync_copy(rows_cur, out_sh.at[pk_cur.at[1]], add=True)

    def pair_body(p, carry):
        _half(2 * p, pk_a, rows_a, sem_ga, pk_b, rows_b, sem_gb)
        _half(2 * p + 1, pk_b, rows_b, sem_gb, pk_a, rows_a, sem_ga)
        return carry

    lax.fori_loop(0, NCHUNK // 2, pair_body, 0)
    pltpu.make_async_copy(h_hbm.at[pk_a.at[0]], rows_a, sem_ga).wait()
    plsc.subcore_barrier()

    sl = pl.ds(sid * NPT, NPT)

    @pl.when(cid == 0)
    def _():
        pltpu.sync_copy(den_sh.at[sl], den0_hbm.at[sl])
        pltpu.sync_copy(out_sh.at[sl], out0_hbm.at[sl])

    @pl.when(cid == 1)
    def _():
        pltpu.sync_copy(den_sh.at[sl], den1_hbm.at[sl])
        pltpu.sync_copy(out_sh.at[sl], out1_hbm.at[sl])



def _ln(v, g, b):
    m = jnp.mean(v, axis=1, keepdims=True)
    d = v - m
    var = jnp.mean(d * d, axis=1, keepdims=True)
    return d * jax.lax.rsqrt(var + 1e-5) * g + b


def _post_body(p0_ref, p1_ref, d0_ref, d1_ref, x_ref, b_ref,
               w1_ref, b1_ref, w2_ref, b2_ref,
               g1_ref, be1_ref, g2_ref, be2_ref, y_ref):
    denom = d0_ref[...] + d1_ref[...] + 1e-16
    agg = (p0_ref[...] + p1_ref[...]) / denom + b_ref[...]
    v = _ln(agg + x_ref[...], g1_ref[...], be1_ref[...])
    ff = jnp.maximum(
        jnp.dot(v, w1_ref[...], preferred_element_type=_f32) + b1_ref[...], 0.0)
    ffo = jnp.dot(ff, w2_ref[...], preferred_element_type=_f32) + b2_ref[...]
    y_ref[...] = _ln(v + ffo, g2_ref[...], be2_ref[...])


def _post(p0, p1, d0, d1, x, bias_row, ff_W1, b1_row, ff_W2, b2_row,
          g1_row, be1_row, g2_row, be2_row):
    row = lambda i: (0, 0)
    return pl.pallas_call(
        _post_body,
        grid=(NGRID,),
        in_specs=[
            pl.BlockSpec((NB, C), lambda i: (i, 0)),
            pl.BlockSpec((NB, C), lambda i: (i, 0)),
            pl.BlockSpec((NB, 1), lambda i: (i, 0)),
            pl.BlockSpec((NB, 1), lambda i: (i, 0)),
            pl.BlockSpec((NB, C), lambda i: (i, 0)),
            pl.BlockSpec((1, C), row),
            pl.BlockSpec((C, FF), row),
            pl.BlockSpec((1, FF), row),
            pl.BlockSpec((FF, C), row),
            pl.BlockSpec((1, C), row),
            pl.BlockSpec((1, C), row),
            pl.BlockSpec((1, C), row),
            pl.BlockSpec((1, C), row),
            pl.BlockSpec((1, C), row),
        ],
        out_specs=pl.BlockSpec((NB, C), lambda i: (i, 0)),
        out_shape=jax.ShapeDtypeStruct((N, C), _f32),
    )(p0, p1, d0, d1, x, bias_row, ff_W1, b1_row, ff_W2, b2_row,
      g1_row, be1_row, g2_row, be2_row)



def kernel(x, edge_index, edge_attr, W, att_src, att_dst, lin_edge_W,
           att_edge, bias, ff_W1, ff_b1, ff_W2, ff_b2,
           ln1_g, ln1_b, ln2_g, ln2_b):
    src = edge_index[0]
    dst = edge_index[1]

    h, a_src, a_dst = _pre(x, W, att_src.reshape(1, C), att_dst.reshape(1, C))
    a_edge = _edge(edge_attr, lin_edge_W, att_edge.reshape(1, C))

    pad = E_PAD - E
    src_p = jnp.concatenate([src, jnp.zeros((pad,), jnp.int32)])
    dst_p = jnp.concatenate([dst, jnp.zeros((pad,), jnp.int32)])
    ae_p = jnp.concatenate([a_edge.reshape(E), jnp.full((pad,), -1e30, _f32)])
    ae_bits = lax.bitcast_convert_type(ae_p, jnp.int32)
    packed = jnp.stack(
        [src_p.reshape(NW, NCHUNK, CK), dst_p.reshape(NW, NCHUNK, CK),
         ae_bits.reshape(NW, NCHUNK, CK)], axis=2)

    z1 = jnp.zeros((NPT,), _f32)
    z2 = jnp.zeros((NPT, C), _f32)

    den0, den1, out0, out1 = _sc_gat(h, packed, a_src.reshape(N),
                                     a_dst.reshape(N), z1, z2)

    return _post(out0, out1, den0.reshape(N_PAD, 1), den1.reshape(N_PAD, 1),
                 x, bias.reshape(1, C), ff_W1, ff_b1.reshape(1, FF),
                 ff_W2, ff_b2.reshape(1, C), ln1_g.reshape(1, C),
                 ln1_b.reshape(1, C), ln2_g.reshape(1, C), ln2_b.reshape(1, C))

# --- scband reference (transcript-rebuilt; emitter-appended) ---
"""Pipeline reference for scband-gattransformer-layer-17557826306414 (READ-ONLY COPY).

The authoritative reference and input builder live on the scoring server;
editing this copy changes nothing except your own understanding.
"""

import jax, jax.numpy as jnp
import numpy as np

N = 10000
E = 320000
C = 128
DE = 16
FF = 512


def setup_inputs(seed: int = 0):
    key = jax.random.key(seed)
    ks = jax.random.split(key, 16)
    s = 1.0 / np.sqrt(C)
    return {
        'x': jax.random.normal(ks[0], (N, C), dtype=jnp.float32),
        'edge_index': jax.random.randint(ks[1], (2, E), 0, N, dtype=jnp.int32),
        'edge_attr': jax.random.normal(ks[2], (E, DE), dtype=jnp.float32),
        'W': jax.random.normal(ks[3], (C, C), dtype=jnp.float32) * s,
        'att_src': jax.random.normal(ks[4], (1, 1, C), dtype=jnp.float32) * s,
        'att_dst': jax.random.normal(ks[5], (1, 1, C), dtype=jnp.float32) * s,
        'lin_edge_W': jax.random.normal(ks[6], (DE, C), dtype=jnp.float32) * (1.0 / np.sqrt(DE)),
        'att_edge': jax.random.normal(ks[7], (1, 1, C), dtype=jnp.float32) * s,
        'bias': jnp.zeros((C,), dtype=jnp.float32),
        'ff_W1': jax.random.normal(ks[8], (C, FF), dtype=jnp.float32) * s,
        'ff_b1': jnp.zeros((FF,), dtype=jnp.float32),
        'ff_W2': jax.random.normal(ks[9], (FF, C), dtype=jnp.float32) * (1.0 / np.sqrt(FF)),
        'ff_b2': jnp.zeros((C,), dtype=jnp.float32),
        'ln1_g': jnp.ones((C,), dtype=jnp.float32),
        'ln1_b': jnp.zeros((C,), dtype=jnp.float32),
        'ln2_g': jnp.ones((C,), dtype=jnp.float32),
        'ln2_b': jnp.zeros((C,), dtype=jnp.float32),
    }


def _layernorm(v, g, b):
    m = v.mean(-1, keepdims=True)
    var = ((v - m) ** 2).mean(-1, keepdims=True)
    return (v - m) / jnp.sqrt(var + 1e-5) * g + b


def _gat_conv(x, src, dst, edge_attr, W, att_src, att_dst, lin_edge_W, att_edge, bias):
    # heads=1, concat: out dim = C. Faithful PyG GATConv math with edge attention.
    h = x @ W
    a_src = (h * att_src.reshape(1, C)).sum(-1)
    a_dst = (h * att_dst.reshape(1, C)).sum(-1)
    e = edge_attr @ lin_edge_W
    a_edge = (e * att_edge.reshape(1, C)).sum(-1)
    alpha = a_src[src] + a_dst[dst] + a_edge
    alpha = jnp.where(alpha > 0, alpha, 0.2 * alpha)  # leaky_relu(0.2)
    amax = jax.lax.stop_gradient(jax.ops.segment_max(alpha, dst, num_segments=N))
    ex = jnp.exp(alpha - amax[dst])
    denom = jax.ops.segment_sum(ex, dst, num_segments=N)
    coef = ex / (denom[dst] + 1e-16)
    out = jax.ops.segment_sum(h[src] * coef[:, None], dst, num_segments=N)
    return out + bias


def reference(x, edge_index, edge_attr, W, att_src, att_dst, lin_edge_W, att_edge, bias, ff_W1, ff_b1, ff_W2, ff_b2, ln1_g, ln1_b, ln2_g, ln2_b):
    src = edge_index[0]
    dst = edge_index[1]
    v = _gat_conv(x, src, dst, edge_attr, W, att_src, att_dst, lin_edge_W, att_edge, bias)
    v = _layernorm(v + x, ln1_g, ln1_b)
    ffo = jnp.maximum(v @ ff_W1 + ff_b1, 0.0) @ ff_W2 + ff_b2
    v = _layernorm(v + ffo, ln2_g, ln2_b)
    return v

if __name__ == "__main__":
    import jax
    _d = setup_inputs()
    print(jax.jit(kernel)(*tuple(_d.values())))

</pallas_src>

<mosaic_0001>
#map = affine_map<(d0, d1) -> (0, 0)>
#map1 = affine_map<(d0, d1) -> (0, 0, 0, 0)>
#map2 = affine_map<(d0, d1) -> (0)>
module attributes {stable_mosaic.version = 14 : i64} {
  func.func @_sc_gat(%arg0: i32, %arg1: i32, %arg2: memref<10000x128xf32, #tpu.memory_space<hbm>>, %arg3: memref<32x128x3x80xi32, #tpu.memory_space<hbm>>, %arg4: memref<10000xf32, #tpu.memory_space<hbm>>, %arg5: memref<10000xf32, #tpu.memory_space<hbm>>, %arg6: memref<640xf32, #tpu.memory_space<hbm>>, %arg7: memref<640x128xf32, #tpu.memory_space<hbm>>, %arg8: memref<10240xf32, #tpu.memory_space<hbm>>, %arg9: memref<10240xf32, #tpu.memory_space<hbm>>, %arg10: memref<10240x128xf32, #tpu.memory_space<hbm>>, %arg11: memref<10240x128xf32, #tpu.memory_space<hbm>>, %arg12: memref<10000xf32, #tpu.memory_space<vmem>>, %arg13: memref<10000xf32, #tpu.memory_space<vmem>>, %arg14: memref<3x80xi32, #tpu.memory_space<vmem>>, %arg15: memref<3x80xi32, #tpu.memory_space<vmem>>, %arg16: memref<80xf32, #tpu.memory_space<vmem>>, %arg17: memref<80x128xf32, #tpu.memory_space<vmem>>, %arg18: memref<80x128xf32, #tpu.memory_space<vmem>>, %arg19: memref<10240xf32, #tpu.memory_space<vmem_shared>>, %arg20: memref<10240x128xf32, #tpu.memory_space<vmem_shared>>, %arg21: memref<!tpu.dma_semaphore, #tpu.memory_space<semaphore_mem>>, %arg22: memref<!tpu.dma_semaphore, #tpu.memory_space<semaphore_mem>>, %arg23: memref<!tpu.dma_semaphore, #tpu.memory_space<semaphore_mem>>, %arg24: memref<!tpu.dma_semaphore, #tpu.memory_space<semaphore_mem>>) attributes {dimension_semantics = [#tpu.dimension_semantics<core_parallel>, #tpu.dimension_semantics<subcore_parallel>], iteration_bounds = array<i64: 2, 16>, scalar_prefetch = 0 : i64, scratch_operands = 13 : i64, tpu.core_type = #tpu.core_type<sc_vector_subcore>, window_params = [{transform_indices = #map}, {transform_indices = #map1}, {transform_indices = #map2}, {transform_indices = #map2}, {transform_indices = #map2}, {transform_indices = #map}, {transform_indices = #map2}, {transform_indices = #map2}, {transform_indices = #map}, {transform_indices = #map}]} {
    %mul3A = arith.constant 2 : i32
    %mul3A_0 = arith.muli %arg1, %mul3A : i32
    %add3A = arith.addi %mul3A_0, %arg0 : i32
    %mul3A_1 = arith.constant 640 : i32
    %mul3A_2 = arith.muli %arg1, %mul3A_1 : i32
    "tpu.region"() ({
      %run_scoped3A_32 = tpu.sem_alloc : memref<!tpu.dma_semaphore, #tpu.memory_space<semaphore_mem>>
      %dma_start3A_33 = tpu.memref_slice %arg19[%mul3A_2] : memref<10240xf32, #tpu.memory_space<vmem_shared>> -> memref<640xf32, #tpu.memory_space<vmem_shared>>
      tpu.enqueue_dma source(%arg6 : memref<640xf32, #tpu.memory_space<hbm>>) target(%dma_start3A_33 : memref<640xf32, #tpu.memory_space<vmem_shared>>) target_semaphore(%run_scoped3A_32 : memref<!tpu.dma_semaphore, #tpu.memory_space<semaphore_mem>>)
      %dma_wait3A_34 = tpu.memref_slice %arg19[%mul3A_2] : memref<10240xf32, #tpu.memory_space<vmem_shared>> -> memref<640xf32, #tpu.memory_space<vmem_shared>>
      tpu.wait_dma2 semaphore(%run_scoped3A_32 : memref<!tpu.dma_semaphore, #tpu.memory_space<semaphore_mem>>) src(%arg6 : memref<640xf32, #tpu.memory_space<hbm>>) dst(%dma_wait3A_34 : memref<640xf32, #tpu.memory_space<vmem_shared>>)
      tpu.yield
    }) : () -> ()
    %mul3A_3 = arith.constant 640 : i32
    %mul3A_4 = arith.muli %arg1, %mul3A_3 : i32
    "tpu.region"() ({
      %run_scoped3A_32 = tpu.sem_alloc : memref<!tpu.dma_semaphore, #tpu.memory_space<semaphore_mem>>
      %dma_start3A_33 = arith.constant 0 : i32
      %dma_start3A_34 = tpu.memref_slice %arg20[%mul3A_4, %dma_start3A_33] : memref<10240x128xf32, #tpu.memory_space<vmem_shared>> -> memref<640x128xf32, #tpu.memory_space<vmem_shared>>
      tpu.enqueue_dma source(%arg7 : memref<640x128xf32, #tpu.memory_space<hbm>>) target(%dma_start3A_34 : memref<640x128xf32, #tpu.memory_space<vmem_shared>>) target_semaphore(%run_scoped3A_32 : memref<!tpu.dma_semaphore, #tpu.memory_space<semaphore_mem>>)
      %dma_wait3A_35 = arith.constant 0 : i32
      %dma_wait3A_36 = tpu.memref_slice %arg20[%mul3A_4, %dma_wait3A_35] : memref<10240x128xf32, #tpu.memory_space<vmem_shared>> -> memref<640x128xf32, #tpu.memory_space<vmem_shared>>
      tpu.wait_dma2 semaphore(%run_scoped3A_32 : memref<!tpu.dma_semaphore, #tpu.memory_space<semaphore_mem>>) src(%arg7 : memref<640x128xf32, #tpu.memory_space<hbm>>) dst(%dma_wait3A_36 : memref<640x128xf32, #tpu.memory_space<vmem_shared>>)
      tpu.yield
    }) : () -> ()
    "tpu.region"() ({
      %run_scoped3A_32 = tpu.sem_alloc : memref<!tpu.dma_semaphore, #tpu.memory_space<semaphore_mem>>
      tpu.enqueue_dma source(%arg4 : memref<10000xf32, #tpu.memory_space<hbm>>) target(%arg12 : memref<10000xf32, #tpu.memory_space<vmem>>) target_semaphore(%run_scoped3A_32 : memref<!tpu.dma_semaphore, #tpu.memory_space<semaphore_mem>>)
      tpu.wait_dma2 semaphore(%run_scoped3A_32 : memref<!tpu.dma_semaphore, #tpu.memory_space<semaphore_mem>>) src(%arg4 : memref<10000xf32, #tpu.memory_space<hbm>>) dst(%arg12 : memref<10000xf32, #tpu.memory_space<vmem>>)
      tpu.yield
    }) : () -> ()
    "tpu.region"() ({
      %run_scoped3A_32 = tpu.sem_alloc : memref<!tpu.dma_semaphore, #tpu.memory_space<semaphore_mem>>
      tpu.enqueue_dma source(%arg5 : memref<10000xf32, #tpu.memory_space<hbm>>) target(%arg13 : memref<10000xf32, #tpu.memory_space<vmem>>) target_semaphore(%run_scoped3A_32 : memref<!tpu.dma_semaphore, #tpu.memory_space<semaphore_mem>>)
      tpu.wait_dma2 semaphore(%run_scoped3A_32 : memref<!tpu.dma_semaphore, #tpu.memory_space<semaphore_mem>>) src(%arg5 : memref<10000xf32, #tpu.memory_space<hbm>>) dst(%arg13 : memref<10000xf32, #tpu.memory_space<vmem>>)
      tpu.yield
    }) : () -> ()
    %run_scoped3A = arith.constant 0 : i32
    "tpu.region"() ({
      %run_scoped3A_32 = tpu.sem_alloc : memref<!tpu.dma_semaphore, #tpu.memory_space<semaphore_mem>>
      %dma_start3A_33 = arith.constant 0 : i32
      %dma_start3A_34 = arith.constant 0 : i32
      %dma_start3A_35 = tpu.memref_slice %arg3[%add3A, %run_scoped3A, %dma_start3A_33, %dma_start3A_34] : memref<32x128x3x80xi32, #tpu.memory_space<hbm>> -> memref<1x1x3x80xi32, #tpu.memory_space<hbm>>
      %dma_start3A_36 = tpu.memref_squeeze %dma_start3A_35 : memref<1x1x3x80xi32, #tpu.memory_space<hbm>> -> memref<3x80xi32, #tpu.memory_space<hbm>>
      %dma_start3A_37 = arith.constant 0 : i32
      %dma_start3A_38 = arith.constant 0 : i32
      %dma_start3A_39 = tpu.memref_slice %arg3[%add3A, %run_scoped3A, %dma_start3A_37, %dma_start3A_38] : memref<32x128x3x80xi32, #tpu.memory_space<hbm>> -> memref<1x1x3x80xi32, #tpu.memory_space<hbm>>
      %dma_start3A_40 = tpu.memref_squeeze %dma_start3A_39 : memref<1x1x3x80xi32, #tpu.memory_space<hbm>> -> memref<3x80xi32, #tpu.memory_space<hbm>>
      tpu.enqueue_dma source(%dma_start3A_40 : memref<3x80xi32, #tpu.memory_space<hbm>>) target(%arg14 : memref<3x80xi32, #tpu.memory_space<vmem>>) target_semaphore(%run_scoped3A_32 : memref<!tpu.dma_semaphore, #tpu.memory_space<semaphore_mem>>)
      %dma_wait3A_41 = arith.constant 0 : i32
      %dma_wait3A_42 = arith.constant 0 : i32
      %dma_wait3A_43 = tpu.memref_slice %arg3[%add3A, %run_scoped3A, %dma_wait3A_41, %dma_wait3A_42] : memref<32x128x3x80xi32, #tpu.memory_space<hbm>> -> memref<1x1x3x80xi32, #tpu.memory_space<hbm>>
      %dma_wait3A_44 = tpu.memref_squeeze %dma_wait3A_43 : memref<1x1x3x80xi32, #tpu.memory_space<hbm>> -> memref<3x80xi32, #tpu.memory_space<hbm>>
      %dma_wait3A_45 = arith.constant 0 : i32
      %dma_wait3A_46 = arith.constant 0 : i32
      %dma_wait3A_47 = tpu.memref_slice %arg3[%add3A, %run_scoped3A, %dma_wait3A_45, %dma_wait3A_46] : memref<32x128x3x80xi32, #tpu.memory_space<hbm>> -> memref<1x1x3x80xi32, #tpu.memory_space<hbm>>
      %dma_wait3A_48 = tpu.memref_squeeze %dma_wait3A_47 : memref<1x1x3x80xi32, #tpu.memory_space<hbm>> -> memref<3x80xi32, #tpu.memory_space<hbm>>
      tpu.wait_dma2 semaphore(%run_scoped3A_32 : memref<!tpu.dma_semaphore, #tpu.memory_space<semaphore_mem>>) src(%dma_wait3A_48 : memref<3x80xi32, #tpu.memory_space<hbm>>) dst(%arg14 : memref<3x80xi32, #tpu.memory_space<vmem>>)
      tpu.yield
    }) : () -> ()
    %dma_start3A = arith.constant 0 : i32
    %dma_start3A_5 = arith.constant 0 : i32
    %dma_start3A_6 = tpu.memref_slice %arg14[%dma_start3A, %dma_start3A_5] : memref<3x80xi32, #tpu.memory_space<vmem>> -> memref<1x80xi32, #tpu.memory_space<vmem>>
    %dma_start3A_7 = tpu.memref_squeeze %dma_start3A_6 : memref<1x80xi32, #tpu.memory_space<vmem>> -> memref<80xi32, #tpu.memory_space<vmem>>
    %dma_start3A_8 = arith.constant 0 : i32
    %dma_start3A_9 = arith.constant 0 : i32
    %dma_start3A_10 = tpu.memref_slice %arg2[%dma_start3A_8, %dma_start3A_9] : memref<10000x128xf32, #tpu.memory_space<hbm>> -> memref<10000x128xf32, #tpu.memory_space<hbm>>
    tpu.enqueue_indirect_dma source(%dma_start3A_10 : memref<10000x128xf32, #tpu.memory_space<hbm>>) target(%arg17 : memref<80x128xf32, #tpu.memory_space<vmem>>) offsets(%dma_start3A_7 : memref<80xi32, #tpu.memory_space<vmem>>) semaphore(%arg21 : memref<!tpu.dma_semaphore, #tpu.memory_space<semaphore_mem>>)
    %barrier3A = arith.constant 0 : index
    tpu.barrier barrier_id(%barrier3A)
    %scan3A = arith.constant 0 : i32
    %scan3A_11 = arith.constant 0 : i32
    %scan3A_12 = arith.constant 64 : i32
    %scan3A_13 = arith.addi %scan3A_11, %scan3A_12 : i32
    %scan3A_14 = arith.constant 1 : i32
    scf.for %scan3A_32 = %scan3A_11 to %scan3A_13 step %scan3A_14  : i32 {
      %mul3A_33 = arith.constant 2 : i32
      %mul3A_34 = arith.muli %mul3A_33, %scan3A_32 : i32
      %add3A_35 = arith.constant 1 : i32
      %add3A_36 = arith.addi %mul3A_34, %add3A_35 : i32
      %min3A = arith.constant 127 : i32
      %min3A_37 = arith.minsi %add3A_36, %min3A : i32
      "tpu.region"() ({
        %run_scoped3A_346 = tpu.sem_alloc : memref<!tpu.dma_semaphore, #tpu.memory_space<semaphore_mem>>
        %dma_start3A_347 = arith.constant 0 : i32
        %dma_start3A_348 = arith.constant 0 : i32
        %dma_start3A_349 = tpu.memref_slice %arg3[%add3A, %min3A_37, %dma_start3A_347, %dma_start3A_348] : memref<32x128x3x80xi32, #tpu.memory_space<hbm>> -> memref<1x1x3x80xi32, #tpu.memory_space<hbm>>
        %dma_start3A_350 = tpu.memref_squeeze %dma_start3A_349 : memref<1x1x3x80xi32, #tpu.memory_space<hbm>> -> memref<3x80xi32, #tpu.memory_space<hbm>>
        %dma_start3A_351 = arith.constant 0 : i32
        %dma_start3A_352 = arith.constant 0 : i32
        %dma_start3A_353 = tpu.memref_slice %arg3[%add3A, %min3A_37, %dma_start3A_351, %dma_start3A_352] : memref<32x128x3x80xi32, #tpu.memory_space<hbm>> -> memref<1x1x3x80xi32, #tpu.memory_space<hbm>>
        %dma_start3A_354 = tpu.memref_squeeze %dma_start3A_353 : memref<1x1x3x80xi32, #tpu.memory_space<hbm>> -> memref<3x80xi32, #tpu.memory_space<hbm>>
        tpu.enqueue_dma source(%dma_start3A_354 : memref<3x80xi32, #tpu.memory_space<hbm>>) target(%arg15 : memref<3x80xi32, #tpu.memory_space<vmem>>) target_semaphore(%run_scoped3A_346 : memref<!tpu.dma_semaphore, #tpu.memory_space<semaphore_mem>>)
        %dma_wait3A_355 = arith.constant 0 : i32
        %dma_wait3A_356 = arith.constant 0 : i32
        %dma_wait3A_357 = tpu.memref_slice %arg3[%add3A, %min3A_37, %dma_wait3A_355, %dma_wait3A_356] : memref<32x128x3x80xi32, #tpu.memory_space<hbm>> -> memref<1x1x3x80xi32, #tpu.memory_space<hbm>>
        %dma_wait3A_358 = tpu.memref_squeeze %dma_wait3A_357 : memref<1x1x3x80xi32, #tpu.memory_space<hbm>> -> memref<3x80xi32, #tpu.memory_space<hbm>>
        %dma_wait3A_359 = arith.constant 0 : i32
        %dma_wait3A_360 = arith.constant 0 : i32
        %dma_wait3A_361 = tpu.memref_slice %arg3[%add3A, %min3A_37, %dma_wait3A_359, %dma_wait3A_360] : memref<32x128x3x80xi32, #tpu.memory_space<hbm>> -> memref<1x1x3x80xi32, #tpu.memory_space<hbm>>
        %dma_wait3A_362 = tpu.memref_squeeze %dma_wait3A_361 : memref<1x1x3x80xi32, #tpu.memory_space<hbm>> -> memref<3x80xi32, #tpu.memory_space<hbm>>
        tpu.wait_dma2 semaphore(%run_scoped3A_346 : memref<!tpu.dma_semaphore, #tpu.memory_space<semaphore_mem>>) src(%dma_wait3A_362 : memref<3x80xi32, #tpu.memory_space<hbm>>) dst(%arg15 : memref<3x80xi32, #tpu.memory_space<vmem>>)
        tpu.yield
      }) : () -> ()
      %dma_start3A_38 = arith.constant 0 : i32
      %dma_start3A_39 = arith.constant 0 : i32
      %dma_start3A_40 = tpu.memref_slice %arg15[%dma_start3A_38, %dma_start3A_39] : memref<3x80xi32, #tpu.memory_space<vmem>> -> memref<1x80xi32, #tpu.memory_space<vmem>>
      %dma_start3A_41 = tpu.memref_squeeze %dma_start3A_40 : memref<1x80xi32, #tpu.memory_space<vmem>> -> memref<80xi32, #tpu.memory_space<vmem>>
      %dma_start3A_42 = arith.constant 0 : i32
      %dma_start3A_43 = arith.constant 0 : i32
      %dma_start3A_44 = tpu.memref_slice %arg2[%dma_start3A_42, %dma_start3A_43] : memref<10000x128xf32, #tpu.memory_space<hbm>> -> memref<10000x128xf32, #tpu.memory_space<hbm>>
      tpu.enqueue_indirect_dma source(%dma_start3A_44 : memref<10000x128xf32, #tpu.memory_space<hbm>>) target(%arg18 : memref<80x128xf32, #tpu.memory_space<vmem>>) offsets(%dma_start3A_41 : memref<80xi32, #tpu.memory_space<vmem>>) semaphore(%arg22 : memref<!tpu.dma_semaphore, #tpu.memory_space<semaphore_mem>>)
      %get3A = arith.constant 0 : i32
      %get3A_45 = arith.index_cast %get3A : i32 to index
      %get3A_46 = arith.constant 0 : index
      %get3A_47 = tpu.vector_load %arg14[%get3A_45, %get3A_46] {strides = array<i32>} : memref<3x80xi32, #tpu.memory_space<vmem>>, vector<16xi32>,
      %get3A_48 = arith.constant 1 : i32
      %get3A_49 = arith.index_cast %get3A_48 : i32 to index
      %get3A_50 = arith.constant 0 : index
      %get3A_51 = tpu.vector_load %arg14[%get3A_49, %get3A_50] {strides = array<i32>} : memref<3x80xi32, #tpu.memory_space<vmem>>, vector<16xi32>,
      %get3A_52 = arith.constant 2 : i32
      %get3A_53 = arith.index_cast %get3A_52 : i32 to index
      %get3A_54 = arith.constant 0 : index
      %get3A_55 = tpu.vector_load %arg14[%get3A_53, %get3A_54] {strides = array<i32>} : memref<3x80xi32, #tpu.memory_space<vmem>>, vector<16xi32>,
      %bitcast3A = vector.bitcast %get3A_55 : vector<16xi32> to vector<16xf32>
      %gather3A = tpu.vector_load_idx %arg12[%get3A_47] : memref<10000xf32, #tpu.memory_space<vmem>>[vector<16xi32>], vector<16xf32>,
      %gather3A_56 = tpu.vector_load_idx %arg13[%get3A_51] : memref<10000xf32, #tpu.memory_space<vmem>>[vector<16xi32>], vector<16xf32>,
      %add3A_57 = arith.addf %gather3A, %gather3A_56 : vector<16xf32>
      %add3A_58 = arith.addf %add3A_57, %bitcast3A : vector<16xf32>
      %gt3A = arith.constant 0.000000e+00 : f32
      %gt3A_59 = vector.broadcast %gt3A : f32 to vector<16xf32>
      %gt3A_60 = arith.cmpf ogt, %add3A_58, %gt3A_59 : vector<16xf32>
      %mul3A_61 = arith.constant 2.000000e-01 : f32
      %mul3A_62 = vector.broadcast %mul3A_61 : f32 to vector<16xf32>
      %mul3A_63 = arith.mulf %mul3A_62, %add3A_58 : vector<16xf32>
      %select_n3A = arith.select %gt3A_60, %add3A_58, %mul3A_63 : vector<16xi1>, vector<16xf32>
      %exp3A = math.exp %select_n3A : vector<16xf32>
      %swap3A = arith.constant 0 : index
      %swap3A_64 = tpu.vector_load %arg16[%swap3A] {strides = array<i32>} : memref<80xf32, #tpu.memory_space<vmem>>, vector<16xf32>,
      tpu.vector_store %arg16[%swap3A], %exp3A {strides = array<i32>} : memref<80xf32, #tpu.memory_space<vmem>>, vector<16xf32>,
      %get3A_65 = arith.constant 0 : i32
      %get3A_66 = arith.index_cast %get3A_65 : i32 to index
      %get3A_67 = arith.constant 16 : index
      %get3A_68 = tpu.vector_load %arg14[%get3A_66, %get3A_67] {strides = array<i32>} : memref<3x80xi32, #tpu.memory_space<vmem>>, vector<16xi32>,
      %get3A_69 = arith.constant 1 : i32
      %get3A_70 = arith.index_cast %get3A_69 : i32 to index
      %get3A_71 = arith.constant 16 : index
      %get3A_72 = tpu.vector_load %arg14[%get3A_70, %get3A_71] {strides = array<i32>} : memref<3x80xi32, #tpu.memory_space<vmem>>, vector<16xi32>,
      %get3A_73 = arith.constant 2 : i32
      %get3A_74 = arith.index_cast %get3A_73 : i32 to index
      %get3A_75 = arith.constant 16 : index
      %get3A_76 = tpu.vector_load %arg14[%get3A_74, %get3A_75] {strides = array<i32>} : memref<3x80xi32, #tpu.memory_space<vmem>>, vector<16xi32>,
      %bitcast3A_77 = vector.bitcast %get3A_76 : vector<16xi32> to vector<16xf32>
      %gather3A_78 = tpu.vector_load_idx %arg12[%get3A_68] : memref<10000xf32, #tpu.memory_space<vmem>>[vector<16xi32>], vector<16xf32>,
      %gather3A_79 = tpu.vector_load_idx %arg13[%get3A_72] : memref<10000xf32, #tpu.memory_space<vmem>>[vector<16xi32>], vector<16xf32>,
      %add3A_80 = arith.addf %gather3A_78, %gather3A_79 : vector<16xf32>
      %add3A_81 = arith.addf %add3A_80, %bitcast3A_77 : vector<16xf32>
      %gt3A_82 = arith.constant 0.000000e+00 : f32
      %gt3A_83 = vector.broadcast %gt3A_82 : f32 to vector<16xf32>
      %gt3A_84 = arith.cmpf ogt, %add3A_81, %gt3A_83 : vector<16xf32>
      %mul3A_85 = arith.constant 2.000000e-01 : f32
      %mul3A_86 = vector.broadcast %mul3A_85 : f32 to vector<16xf32>
      %mul3A_87 = arith.mulf %mul3A_86, %add3A_81 : vector<16xf32>
      %select_n3A_88 = arith.select %gt3A_84, %add3A_81, %mul3A_87 : vector<16xi1>, vector<16xf32>
      %exp3A_89 = math.exp %select_n3A_88 : vector<16xf32>
      %swap3A_90 = arith.constant 16 : index
      %swap3A_91 = tpu.vector_load %arg16[%swap3A_90] {strides = array<i32>} : memref<80xf32, #tpu.memory_space<vmem>>, vector<16xf32>,
      tpu.vector_store %arg16[%swap3A_90], %exp3A_89 {strides = array<i32>} : memref<80xf32, #tpu.memory_space<vmem>>, vector<16xf32>,
      %get3A_92 = arith.constant 0 : i32
      %get3A_93 = arith.index_cast %get3A_92 : i32 to index
      %get3A_94 = arith.constant 32 : index
      %get3A_95 = tpu.vector_load %arg14[%get3A_93, %get3A_94] {strides = array<i32>} : memref<3x80xi32, #tpu.memory_space<vmem>>, vector<16xi32>,
      %get3A_96 = arith.constant 1 : i32
      %get3A_97 = arith.index_cast %get3A_96 : i32 to index
      %get3A_98 = arith.constant 32 : index
      %get3A_99 = tpu.vector_load %arg14[%get3A_97, %get3A_98] {strides = array<i32>} : memref<3x80xi32, #tpu.memory_space<vmem>>, vector<16xi32>,
      %get3A_100 = arith.constant 2 : i32
      %get3A_101 = arith.index_cast %get3A_100 : i32 to index
      %get3A_102 = arith.constant 32 : index
      %get3A_103 = tpu.vector_load %arg14[%get3A_101, %get3A_102] {strides = array<i32>} : memref<3x80xi32, #tpu.memory_space<vmem>>, vector<16xi32>,
      %bitcast3A_104 = vector.bitcast %get3A_103 : vector<16xi32> to vector<16xf32>
      %gather3A_105 = tpu.vector_load_idx %arg12[%get3A_95] : memref<10000xf32, #tpu.memory_space<vmem>>[vector<16xi32>], vector<16xf32>,
      %gather3A_106 = tpu.vector_load_idx %arg13[%get3A_99] : memref<10000xf32, #tpu.memory_space<vmem>>[vector<16xi32>], vector<16xf32>,
      %add3A_107 = arith.addf %gather3A_105, %gather3A_106 : vector<16xf32>
      %add3A_108 = arith.addf %add3A_107, %bitcast3A_104 : vector<16xf32>
      %gt3A_109 = arith.constant 0.000000e+00 : f32
      %gt3A_110 = vector.broadcast %gt3A_109 : f32 to vector<16xf32>
      %gt3A_111 = arith.cmpf ogt, %add3A_108, %gt3A_110 : vector<16xf32>
      %mul3A_112 = arith.constant 2.000000e-01 : f32
      %mul3A_113 = vector.broadcast %mul3A_112 : f32 to vector<16xf32>
      %mul3A_114 = arith.mulf %mul3A_113, %add3A_108 : vector<16xf32>
      %select_n3A_115 = arith.select %gt3A_111, %add3A_108, %mul3A_114 : vector<16xi1>, vector<16xf32>
      %exp3A_116 = math.exp %select_n3A_115 : vector<16xf32>
      %swap3A_117 = arith.constant 32 : index
      %swap3A_118 = tpu.vector_load %arg16[%swap3A_117] {strides = array<i32>} : memref<80xf32, #tpu.memory_space<vmem>>, vector<16xf32>,
      tpu.vector_store %arg16[%swap3A_117], %exp3A_116 {strides = array<i32>} : memref<80xf32, #tpu.memory_space<vmem>>, vector<16xf32>,
      %get3A_119 = arith.constant 0 : i32
      %get3A_120 = arith.index_cast %get3A_119 : i32 to index
      %get3A_121 = arith.constant 48 : index
      %get3A_122 = tpu.vector_load %arg14[%get3A_120, %get3A_121] {strides = array<i32>} : memref<3x80xi32, #tpu.memory_space<vmem>>, vector<16xi32>,
      %get3A_123 = arith.constant 1 : i32
      %get3A_124 = arith.index_cast %get3A_123 : i32 to index
      %get3A_125 = arith.constant 48 : index
      %get3A_126 = tpu.vector_load %arg14[%get3A_124, %get3A_125] {strides = array<i32>} : memref<3x80xi32, #tpu.memory_space<vmem>>, vector<16xi32>,
      %get3A_127 = arith.constant 2 : i32
      %get3A_128 = arith.index_cast %get3A_127 : i32 to index
      %get3A_129 = arith.constant 48 : index
      %get3A_130 = tpu.vector_load %arg14[%get3A_128, %get3A_129] {strides = array<i32>} : memref<3x80xi32, #tpu.memory_space<vmem>>, vector<16xi32>,
      %bitcast3A_131 = vector.bitcast %get3A_130 : vector<16xi32> to vector<16xf32>
      %gather3A_132 = tpu.vector_load_idx %arg12[%get3A_122] : memref<10000xf32, #tpu.memory_space<vmem>>[vector<16xi32>], vector<16xf32>,
      %gather3A_133 = tpu.vector_load_idx %arg13[%get3A_126] : memref<10000xf32, #tpu.memory_space<vmem>>[vector<16xi32>], vector<16xf32>,
      %add3A_134 = arith.addf %gather3A_132, %gather3A_133 : vector<16xf32>
      %add3A_135 = arith.addf %add3A_134, %bitcast3A_131 : vector<16xf32>
      %gt3A_136 = arith.constant 0.000000e+00 : f32
      %gt3A_137 = vector.broadcast %gt3A_136 : f32 to vector<16xf32>
      %gt3A_138 = arith.cmpf ogt, %add3A_135, %gt3A_137 : vector<16xf32>
      %mul3A_139 = arith.constant 2.000000e-01 : f32
      %mul3A_140 = vector.broadcast %mul3A_139 : f32 to vector<16xf32>
      %mul3A_141 = arith.mulf %mul3A_140, %add3A_135 : vector<16xf32>
      %select_n3A_142 = arith.select %gt3A_138, %add3A_135, %mul3A_141 : vector<16xi1>, vector<16xf32>
      %exp3A_143 = math.exp %select_n3A_142 : vector<16xf32>
      %swap3A_144 = arith.constant 48 : index
      %swap3A_145 = tpu.vector_load %arg16[%swap3A_144] {strides = array<i32>} : memref<80xf32, #tpu.memory_space<vmem>>, vector<16xf32>,
      tpu.vector_store %arg16[%swap3A_144], %exp3A_143 {strides = array<i32>} : memref<80xf32, #tpu.memory_space<vmem>>, vector<16xf32>,
      %get3A_146 = arith.constant 0 : i32
      %get3A_147 = arith.index_cast %get3A_146 : i32 to index
      %get3A_148 = arith.constant 64 : index
      %get3A_149 = tpu.vector_load %arg14[%get3A_147, %get3A_148] {strides = array<i32>} : memref<3x80xi32, #tpu.memory_space<vmem>>, vector<16xi32>,
      %get3A_150 = arith.constant 1 : i32
      %get3A_151 = arith.index_cast %get3A_150 : i32 to index
      %get3A_152 = arith.constant 64 : index
      %get3A_153 = tpu.vector_load %arg14[%get3A_151, %get3A_152] {strides = array<i32>} : memref<3x80xi32, #tpu.memory_space<vmem>>, vector<16xi32>,
      %get3A_154 = arith.constant 2 : i32
      %get3A_155 = arith.index_cast %get3A_154 : i32 to index
      %get3A_156 = arith.constant 64 : index
      %get3A_157 = tpu.vector_load %arg14[%get3A_155, %get3A_156] {strides = array<i32>} : memref<3x80xi32, #tpu.memory_space<vmem>>, vector<16xi32>,
      %bitcast3A_158 = vector.bitcast %get3A_157 : vector<16xi32> to vector<16xf32>
      %gather3A_159 = tpu.vector_load_idx %arg12[%get3A_149] : memref<10000xf32, #tpu.memory_space<vmem>>[vector<16xi32>], vector<16xf32>,
      %gather3A_160 = tpu.vector_load_idx %arg13[%get3A_153] : memref<10000xf32, #tpu.memory_space<vmem>>[vector<16xi32>], vector<16xf32>,
      %add3A_161 = arith.addf %gather3A_159, %gather3A_160 : vector<16xf32>
      %add3A_162 = arith.addf %add3A_161, %bitcast3A_158 : vector<16xf32>
      %gt3A_163 = arith.constant 0.000000e+00 : f32
      %gt3A_164 = vector.broadcast %gt3A_163 : f32 to vector<16xf32>
      %gt3A_165 = arith.cmpf ogt, %add3A_162, %gt3A_164 : vector<16xf32>
      %mul3A_166 = arith.constant 2.000000e-01 : f32
      %mul3A_167 = vector.broadcast %mul3A_166 : f32 to vector<16xf32>
      %mul3A_168 = arith.mulf %mul3A_167, %add3A_162 : vector<16xf32>
      %select_n3A_169 = arith.select %gt3A_165, %add3A_162, %mul3A_168 : vector<16xi1>, vector<16xf32>
      %exp3A_170 = math.exp %select_n3A_169 : vector<16xf32>
      %swap3A_171 = arith.constant 64 : index
      %swap3A_172 = tpu.vector_load %arg16[%swap3A_171] {strides = array<i32>} : memref<80xf32, #tpu.memory_space<vmem>>, vector<16xf32>,
      tpu.vector_store %arg16[%swap3A_171], %exp3A_170 {strides = array<i32>} : memref<80xf32, #tpu.memory_space<vmem>>, vector<16xf32>,
      %run_scoped3A_173 = arith.constant 1 : i32
      "tpu.region"() ({
        %run_scoped3A_346 = tpu.sem_alloc : memref<!tpu.dma_semaphore, #tpu.memory_space<semaphore_mem>>
        %dma_start3A_347 = arith.constant 0 : i32
        %dma_start3A_348 = tpu.memref_slice %arg14[%run_scoped3A_173, %dma_start3A_347] : memref<3x80xi32, #tpu.memory_space<vmem>> -> memref<1x80xi32, #tpu.memory_space<vmem>>
        %dma_start3A_349 = tpu.memref_squeeze %dma_start3A_348 : memref<1x80xi32, #tpu.memory_space<vmem>> -> memref<80xi32, #tpu.memory_space<vmem>>
        %dma_start3A_350 = arith.constant 0 : i32
        %dma_start3A_351 = tpu.memref_slice %arg19[%dma_start3A_350] : memref<10240xf32, #tpu.memory_space<vmem_shared>> -> memref<10240xf32, #tpu.memory_space<vmem_shared>>
        tpu.enqueue_indirect_dma source(%arg16 : memref<80xf32, #tpu.memory_space<vmem>>) target(%dma_start3A_351 : memref<10240xf32, #tpu.memory_space<vmem_shared>>) offsets(%dma_start3A_349 : memref<80xi32, #tpu.memory_space<vmem>>) semaphore(%run_scoped3A_346 : memref<!tpu.dma_semaphore, #tpu.memory_space<semaphore_mem>>) {add = true}
        %dma_wait3A_352 = arith.constant 0 : i32
        %dma_wait3A_353 = tpu.memref_slice %arg14[%run_scoped3A_173, %dma_wait3A_352] : memref<3x80xi32, #tpu.memory_space<vmem>> -> memref<1x80xi32, #tpu.memory_space<vmem>>
        %dma_wait3A_354 = tpu.memref_squeeze %dma_wait3A_353 : memref<1x80xi32, #tpu.memory_space<vmem>> -> memref<80xi32, #tpu.memory_space<vmem>>
        %dma_wait3A_355 = arith.constant 0 : i32
        %dma_wait3A_356 = tpu.memref_slice %arg19[%dma_wait3A_355] : memref<10240xf32, #tpu.memory_space<vmem_shared>> -> memref<10240xf32, #tpu.memory_space<vmem_shared>>
        tpu.wait_indirect_dma semaphore(%run_scoped3A_346 : memref<!tpu.dma_semaphore, #tpu.memory_space<semaphore_mem>>) src(%arg16 : memref<80xf32, #tpu.memory_space<vmem>>) dst(%dma_wait3A_356 : memref<10240xf32, #tpu.memory_space<vmem_shared>>)
        tpu.yield
      }) : () -> ()
      %dma_wait3A_174 = arith.constant 0 : i32
      %dma_wait3A_175 = arith.constant 0 : i32
      %dma_wait3A_176 = tpu.memref_slice %arg14[%dma_wait3A_174, %dma_wait3A_175] : memref<3x80xi32, #tpu.memory_space<vmem>> -> memref<1x80xi32, #tpu.memory_space<vmem>>
      %dma_wait3A_177 = tpu.memref_squeeze %dma_wait3A_176 : memref<1x80xi32, #tpu.memory_space<vmem>> -> memref<80xi32, #tpu.memory_space<vmem>>
      %dma_wait3A_178 = arith.constant 0 : i32
      %dma_wait3A_179 = arith.constant 0 : i32
      %dma_wait3A_180 = tpu.memref_slice %arg2[%dma_wait3A_178, %dma_wait3A_179] : memref<10000x128xf32, #tpu.memory_space<hbm>> -> memref<10000x128xf32, #tpu.memory_space<hbm>>
      tpu.wait_indirect_dma semaphore(%arg21 : memref<!tpu.dma_semaphore, #tpu.memory_space<semaphore_mem>>) src(%dma_wait3A_180 : memref<10000x128xf32, #tpu.memory_space<hbm>>) dst(%arg17 : memref<80x128xf32, #tpu.memory_space<vmem>>)
      %parallel_loop3A = arith.constant 0 : i32
      %parallel_loop3A_181 = arith.constant 80 : i32
      %parallel_loop3A_182 = arith.constant 1 : i32
      scf.for %parallel_loop3A_346 = %parallel_loop3A to %parallel_loop3A_181 step %parallel_loop3A_182  : i32 {
        %parallel_loop3A_347 = vector.broadcast %parallel_loop3A_346 : i32 to vector<16xi32>
        %parallel_loop3A_348 = tpu.vector_load_idx %arg16[%parallel_loop3A_347] : memref<80xf32, #tpu.memory_space<vmem>>[vector<16xi32>], vector<16xf32>,
        %parallel_loop3A_349 = arith.index_cast %parallel_loop3A_346 : i32 to index
        %parallel_loop3A_350 = arith.constant 0 : index
        %parallel_loop3A_351 = tpu.vector_load %arg17[%parallel_loop3A_349, %parallel_loop3A_350] {strides = array<i32>} : memref<80x128xf32, #tpu.memory_space<vmem>>, vector<16xf32>,
        %parallel_loop3A_352 = arith.mulf %parallel_loop3A_351, %parallel_loop3A_348 : vector<16xf32>
        %parallel_loop3A_353 = arith.index_cast %parallel_loop3A_346 : i32 to index
        %parallel_loop3A_354 = arith.constant 0 : index
        %parallel_loop3A_355 = tpu.vector_load %arg17[%parallel_loop3A_353, %parallel_loop3A_354] {strides = array<i32>} : memref<80x128xf32, #tpu.memory_space<vmem>>, vector<16xf32>,
        tpu.vector_store %arg17[%parallel_loop3A_353, %parallel_loop3A_354], %parallel_loop3A_352 {strides = array<i32>} : memref<80x128xf32, #tpu.memory_space<vmem>>, vector<16xf32>,
        %parallel_loop3A_356 = arith.index_cast %parallel_loop3A_346 : i32 to index
        %parallel_loop3A_357 = arith.constant 16 : index
        %parallel_loop3A_358 = tpu.vector_load %arg17[%parallel_loop3A_356, %parallel_loop3A_357] {strides = array<i32>} : memref<80x128xf32, #tpu.memory_space<vmem>>, vector<16xf32>,
        %parallel_loop3A_359 = arith.mulf %parallel_loop3A_358, %parallel_loop3A_348 : vector<16xf32>
        %parallel_loop3A_360 = arith.index_cast %parallel_loop3A_346 : i32 to index
        %parallel_loop3A_361 = arith.constant 16 : index
        %parallel_loop3A_362 = tpu.vector_load %arg17[%parallel_loop3A_360, %parallel_loop3A_361] {strides = array<i32>} : memref<80x128xf32, #tpu.memory_space<vmem>>, vector<16xf32>,
        tpu.vector_store %arg17[%parallel_loop3A_360, %parallel_loop3A_361], %parallel_loop3A_359 {strides = array<i32>} : memref<80x128xf32, #tpu.memory_space<vmem>>, vector<16xf32>,
        %parallel_loop3A_363 = arith.index_cast %parallel_loop3A_346 : i32 to index
        %parallel_loop3A_364 = arith.constant 32 : index
        %parallel_loop3A_365 = tpu.vector_load %arg17[%parallel_loop3A_363, %parallel_loop3A_364] {strides = array<i32>} : memref<80x128xf32, #tpu.memory_space<vmem>>, vector<16xf32>,
        %parallel_loop3A_366 = arith.mulf %parallel_loop3A_365, %parallel_loop3A_348 : vector<16xf32>
        %parallel_loop3A_367 = arith.index_cast %parallel_loop3A_346 : i32 to index
        %parallel_loop3A_368 = arith.constant 32 : index
        %parallel_loop3A_369 = tpu.vector_load %arg17[%parallel_loop3A_367, %parallel_loop3A_368] {strides = array<i32>} : memref<80x128xf32, #tpu.memory_space<vmem>>, vector<16xf32>,
        tpu.vector_store %arg17[%parallel_loop3A_367, %parallel_loop3A_368], %parallel_loop3A_366 {strides = array<i32>} : memref<80x128xf32, #tpu.memory_space<vmem>>, vector<16xf32>,
        %parallel_loop3A_370 = arith.index_cast %parallel_loop3A_346 : i32 to index
        %parallel_loop3A_371 = arith.constant 48 : index
        %parallel_loop3A_372 = tpu.vector_load %arg17[%parallel_loop3A_370, %parallel_loop3A_371] {strides = array<i32>} : memref<80x128xf32, #tpu.memory_space<vmem>>, vector<16xf32>,
        %parallel_loop3A_373 = arith.mulf %parallel_loop3A_372, %parallel_loop3A_348 : vector<16xf32>
        %parallel_loop3A_374 = arith.index_cast %parallel_loop3A_346 : i32 to index
        %parallel_loop3A_375 = arith.constant 48 : index
        %parallel_loop3A_376 = tpu.vector_load %arg17[%parallel_loop3A_374, %parallel_loop3A_375] {strides = array<i32>} : memref<80x128xf32, #tpu.memory_space<vmem>>, vector<16xf32>,
        tpu.vector_store %arg17[%parallel_loop3A_374, %parallel_loop3A_375], %parallel_loop3A_373 {strides = array<i32>} : memref<80x128xf32, #tpu.memory_space<vmem>>, vector<16xf32>,
        %parallel_loop3A_377 = arith.index_cast %parallel_loop3A_346 : i32 to index
        %parallel_loop3A_378 = arith.constant 64 : index
        %parallel_loop3A_379 = tpu.vector_load %arg17[%parallel_loop3A_377, %parallel_loop3A_378] {strides = array<i32>} : memref<80x128xf32, #tpu.memory_space<vmem>>, vector<16xf32>,
        %parallel_loop3A_380 = arith.mulf %parallel_loop3A_379, %parallel_loop3A_348 : vector<16xf32>
        %parallel_loop3A_381 = arith.index_cast %parallel_loop3A_346 : i32 to index
        %parallel_loop3A_382 = arith.constant 64 : index
        %parallel_loop3A_383 = tpu.vector_load %arg17[%parallel_loop3A_381, %parallel_loop3A_382] {strides = array<i32>} : memref<80x128xf32, #tpu.memory_space<vmem>>, vector<16xf32>,
        tpu.vector_store %arg17[%parallel_loop3A_381, %parallel_loop3A_382], %parallel_loop3A_380 {strides = array<i32>} : memref<80x128xf32, #tpu.memory_space<vmem>>, vector<16xf32>,
        %parallel_loop3A_384 = arith.index_cast %parallel_loop3A_346 : i32 to index
        %parallel_loop3A_385 = arith.constant 80 : index
        %parallel_loop3A_386 = tpu.vector_load %arg17[%parallel_loop3A_384, %parallel_loop3A_385] {strides = array<i32>} : memref<80x128xf32, #tpu.memory_space<vmem>>, vector<16xf32>,
        %parallel_loop3A_387 = arith.mulf %parallel_loop3A_386, %parallel_loop3A_348 : vector<16xf32>
        %parallel_loop3A_388 = arith.index_cast %parallel_loop3A_346 : i32 to index
        %parallel_loop3A_389 = arith.constant 80 : index
        %parallel_loop3A_390 = tpu.vector_load %arg17[%parallel_loop3A_388, %parallel_loop3A_389] {strides = array<i32>} : memref<80x128xf32, #tpu.memory_space<vmem>>, vector<16xf32>,
        tpu.vector_store %arg17[%parallel_loop3A_388, %parallel_loop3A_389], %parallel_loop3A_387 {strides = array<i32>} : memref<80x128xf32, #tpu.memory_space<vmem>>, vector<16xf32>,
        %parallel_loop3A_391 = arith.index_cast %parallel_loop3A_346 : i32 to index
        %parallel_loop3A_392 = arith.constant 96 : index
        %parallel_loop3A_393 = tpu.vector_load %arg17[%parallel_loop3A_391, %parallel_loop3A_392] {strides = array<i32>} : memref<80x128xf32, #tpu.memory_space<vmem>>, vector<16xf32>,
        %parallel_loop3A_394 = arith.mulf %parallel_loop3A_393, %parallel_loop3A_348 : vector<16xf32>
        %parallel_loop3A_395 = arith.index_cast %parallel_loop3A_346 : i32 to index
        %parallel_loop3A_396 = arith.constant 96 : index
        %parallel_loop3A_397 = tpu.vector_load %arg17[%parallel_loop3A_395, %parallel_loop3A_396] {strides = array<i32>} : memref<80x128xf32, #tpu.memory_space<vmem>>, vector<16xf32>,
        tpu.vector_store %arg17[%parallel_loop3A_395, %parallel_loop3A_396], %parallel_loop3A_394 {strides = array<i32>} : memref<80x128xf32, #tpu.memory_space<vmem>>, vector<16xf32>,
        %parallel_loop3A_398 = arith.index_cast %parallel_loop3A_346 : i32 to index
        %parallel_loop3A_399 = arith.constant 112 : index
        %parallel_loop3A_400 = tpu.vector_load %arg17[%parallel_loop3A_398, %parallel_loop3A_399] {strides = array<i32>} : memref<80x128xf32, #tpu.memory_space<vmem>>, vector<16xf32>,
        %parallel_loop3A_401 = arith.mulf %parallel_loop3A_400, %parallel_loop3A_348 : vector<16xf32>
        %parallel_loop3A_402 = arith.index_cast %parallel_loop3A_346 : i32 to index
        %parallel_loop3A_403 = arith.constant 112 : index
        %parallel_loop3A_404 = tpu.vector_load %arg17[%parallel_loop3A_402, %parallel_loop3A_403] {strides = array<i32>} : memref<80x128xf32, #tpu.memory_space<vmem>>, vector<16xf32>,
        tpu.vector_store %arg17[%parallel_loop3A_402, %parallel_loop3A_403], %parallel_loop3A_401 {strides = array<i32>} : memref<80x128xf32, #tpu.memory_space<vmem>>, vector<16xf32>,
      } {sc.loop_unroll_factor = 4 : i64, sc.parallel_access}
      %run_scoped3A_183 = arith.constant 1 : i32
      "tpu.region"() ({
        %run_scoped3A_346 = tpu.sem_alloc : memref<!tpu.dma_semaphore, #tpu.memory_space<semaphore_mem>>
        %dma_start3A_347 = arith.constant 0 : i32
        %dma_start3A_348 = tpu.memref_slice %arg14[%run_scoped3A_183, %dma_start3A_347] : memref<3x80xi32, #tpu.memory_space<vmem>> -> memref<1x80xi32, #tpu.memory_space<vmem>>
        %dma_start3A_349 = tpu.memref_squeeze %dma_start3A_348 : memref<1x80xi32, #tpu.memory_space<vmem>> -> memref<80xi32, #tpu.memory_space<vmem>>
        %dma_start3A_350 = arith.constant 0 : i32
        %dma_start3A_351 = arith.constant 0 : i32
        %dma_start3A_352 = tpu.memref_slice %arg20[%dma_start3A_350, %dma_start3A_351] : memref<10240x128xf32, #tpu.memory_space<vmem_shared>> -> memref<10240x128xf32, #tpu.memory_space<vmem_shared>>
        tpu.enqueue_indirect_dma source(%arg17 : memref<80x128xf32, #tpu.memory_space<vmem>>) target(%dma_start3A_352 : memref<10240x128xf32, #tpu.memory_space<vmem_shared>>) offsets(%dma_start3A_349 : memref<80xi32, #tpu.memory_space<vmem>>) semaphore(%run_scoped3A_346 : memref<!tpu.dma_semaphore, #tpu.memory_space<semaphore_mem>>) {add = true}
        %dma_wait3A_353 = arith.constant 0 : i32
        %dma_wait3A_354 = tpu.memref_slice %arg14[%run_scoped3A_183, %dma_wait3A_353] : memref<3x80xi32, #tpu.memory_space<vmem>> -> memref<1x80xi32, #tpu.memory_space<vmem>>
        %dma_wait3A_355 = tpu.memref_squeeze %dma_wait3A_354 : memref<1x80xi32, #tpu.memory_space<vmem>> -> memref<80xi32, #tpu.memory_space<vmem>>
        %dma_wait3A_356 = arith.constant 0 : i32
        %dma_wait3A_357 = arith.constant 0 : i32
        %dma_wait3A_358 = tpu.memref_slice %arg20[%dma_wait3A_356, %dma_wait3A_357] : memref<10240x128xf32, #tpu.memory_space<vmem_shared>> -> memref<10240x128xf32, #tpu.memory_space<vmem_shared>>
        tpu.wait_indirect_dma semaphore(%run_scoped3A_346 : memref<!tpu.dma_semaphore, #tpu.memory_space<semaphore_mem>>) src(%arg17 : memref<80x128xf32, #tpu.memory_space<vmem>>) dst(%dma_wait3A_358 : memref<10240x128xf32, #tpu.memory_space<vmem_shared>>)
        tpu.yield
      }) : () -> ()
      %mul3A_184 = arith.constant 2 : i32
      %mul3A_185 = arith.muli %mul3A_184, %scan3A_32 : i32
      %add3A_186 = arith.constant 1 : i32
      %add3A_187 = arith.addi %mul3A_185, %add3A_186 : i32
      %add3A_188 = arith.constant 1 : i32
      %add3A_189 = arith.addi %add3A_187, %add3A_188 : i32
      %min3A_190 = arith.constant 127 : i32
      %min3A_191 = arith.minsi %add3A_189, %min3A_190 : i32
      "tpu.region"() ({
        %run_scoped3A_346 = tpu.sem_alloc : memref<!tpu.dma_semaphore, #tpu.memory_space<semaphore_mem>>
        %dma_start3A_347 = arith.constant 0 : i32
        %dma_start3A_348 = arith.constant 0 : i32
        %dma_start3A_349 = tpu.memref_slice %arg3[%add3A, %min3A_191, %dma_start3A_347, %dma_start3A_348] : memref<32x128x3x80xi32, #tpu.memory_space<hbm>> -> memref<1x1x3x80xi32, #tpu.memory_space<hbm>>
        %dma_start3A_350 = tpu.memref_squeeze %dma_start3A_349 : memref<1x1x3x80xi32, #tpu.memory_space<hbm>> -> memref<3x80xi32, #tpu.memory_space<hbm>>
        %dma_start3A_351 = arith.constant 0 : i32
        %dma_start3A_352 = arith.constant 0 : i32
        %dma_start3A_353 = tpu.memref_slice %arg3[%add3A, %min3A_191, %dma_start3A_351, %dma_start3A_352] : memref<32x128x3x80xi32, #tpu.memory_space<hbm>> -> memref<1x1x3x80xi32, #tpu.memory_space<hbm>>
        %dma_start3A_354 = tpu.memref_squeeze %dma_start3A_353 : memref<1x1x3x80xi32, #tpu.memory_space<hbm>> -> memref<3x80xi32, #tpu.memory_space<hbm>>
        tpu.enqueue_dma source(%dma_start3A_354 : memref<3x80xi32, #tpu.memory_space<hbm>>) target(%arg14 : memref<3x80xi32, #tpu.memory_space<vmem>>) target_semaphore(%run_scoped3A_346 : memref<!tpu.dma_semaphore, #tpu.memory_space<semaphore_mem>>)
        %dma_wait3A_355 = arith.constant 0 : i32
        %dma_wait3A_356 = arith.constant 0 : i32
        %dma_wait3A_357 = tpu.memref_slice %arg3[%add3A, %min3A_191, %dma_wait3A_355, %dma_wait3A_356] : memref<32x128x3x80xi32, #tpu.memory_space<hbm>> -> memref<1x1x3x80xi32, #tpu.memory_space<hbm>>
        %dma_wait3A_358 = tpu.memref_squeeze %dma_wait3A_357 : memref<1x1x3x80xi32, #tpu.memory_space<hbm>> -> memref<3x80xi32, #tpu.memory_space<hbm>>
        %dma_wait3A_359 = arith.constant 0 : i32
        %dma_wait3A_360 = arith.constant 0 : i32
        %dma_wait3A_361 = tpu.memref_slice %arg3[%add3A, %min3A_191, %dma_wait3A_359, %dma_wait3A_360] : memref<32x128x3x80xi32, #tpu.memory_space<hbm>> -> memref<1x1x3x80xi32, #tpu.memory_space<hbm>>
        %dma_wait3A_362 = tpu.memref_squeeze %dma_wait3A_361 : memref<1x1x3x80xi32, #tpu.memory_space<hbm>> -> memref<3x80xi32, #tpu.memory_space<hbm>>
        tpu.wait_dma2 semaphore(%run_scoped3A_346 : memref<!tpu.dma_semaphore, #tpu.memory_space<semaphore_mem>>) src(%dma_wait3A_362 : memref<3x80xi32, #tpu.memory_space<hbm>>) dst(%arg14 : memref<3x80xi32, #tpu.memory_space<vmem>>)
        tpu.yield
      }) : () -> ()
      %dma_start3A_192 = arith.constant 0 : i32
      %dma_start3A_193 = arith.constant 0 : i32
      %dma_start3A_194 = tpu.memref_slice %arg14[%dma_start3A_192, %dma_start3A_193] : memref<3x80xi32, #tpu.memory_space<vmem>> -> memref<1x80xi32, #tpu.memory_space<vmem>>
      %dma_start3A_195 = tpu.memref_squeeze %dma_start3A_194 : memref<1x80xi32, #tpu.memory_space<vmem>> -> memref<80xi32, #tpu.memory_space<vmem>>
      %dma_start3A_196 = arith.constant 0 : i32
      %dma_start3A_197 = arith.constant 0 : i32
      %dma_start3A_198 = tpu.memref_slice %arg2[%dma_start3A_196, %dma_start3A_197] : memref<10000x128xf32, #tpu.memory_space<hbm>> -> memref<10000x128xf32, #tpu.memory_space<hbm>>
      tpu.enqueue_indirect_dma source(%dma_start3A_198 : memref<10000x128xf32, #tpu.memory_space<hbm>>) target(%arg17 : memref<80x128xf32, #tpu.memory_space<vmem>>) offsets(%dma_start3A_195 : memref<80xi32, #tpu.memory_space<vmem>>) semaphore(%arg21 : memref<!tpu.dma_semaphore, #tpu.memory_space<semaphore_mem>>)
      %get3A_199 = arith.constant 0 : i32
      %get3A_200 = arith.index_cast %get3A_199 : i32 to index
      %get3A_201 = arith.constant 0 : index
      %get3A_202 = tpu.vector_load %arg15[%get3A_200, %get3A_201] {strides = array<i32>} : memref<3x80xi32, #tpu.memory_space<vmem>>, vector<16xi32>,
      %get3A_203 = arith.constant 1 : i32
      %get3A_204 = arith.index_cast %get3A_203 : i32 to index
      %get3A_205 = arith.constant 0 : index
      %get3A_206 = tpu.vector_load %arg15[%get3A_204, %get3A_205] {strides = array<i32>} : memref<3x80xi32, #tpu.memory_space<vmem>>, vector<16xi32>,
      %get3A_207 = arith.constant 2 : i32
      %get3A_208 = arith.index_cast %get3A_207 : i32 to index
      %get3A_209 = arith.constant 0 : index
      %get3A_210 = tpu.vector_load %arg15[%get3A_208, %get3A_209] {strides = array<i32>} : memref<3x80xi32, #tpu.memory_space<vmem>>, vector<16xi32>,
      %bitcast3A_211 = vector.bitcast %get3A_210 : vector<16xi32> to vector<16xf32>
      %gather3A_212 = tpu.vector_load_idx %arg12[%get3A_202] : memref<10000xf32, #tpu.memory_space<vmem>>[vector<16xi32>], vector<16xf32>,
      %gather3A_213 = tpu.vector_load_idx %arg13[%get3A_206] : memref<10000xf32, #tpu.memory_space<vmem>>[vector<16xi32>], vector<16xf32>,
      %add3A_214 = arith.addf %gather3A_212, %gather3A_213 : vector<16xf32>
      %add3A_215 = arith.addf %add3A_214, %bitcast3A_211 : vector<16xf32>
      %gt3A_216 = arith.constant 0.000000e+00 : f32
      %gt3A_217 = vector.broadcast %gt3A_216 : f32 to vector<16xf32>
      %gt3A_218 = arith.cmpf ogt, %add3A_215, %gt3A_217 : vector<16xf32>
      %mul3A_219 = arith.constant 2.000000e-01 : f32
      %mul3A_220 = vector.broadcast %mul3A_219 : f32 to vector<16xf32>
      %mul3A_221 = arith.mulf %mul3A_220, %add3A_215 : vector<16xf32>
      %select_n3A_222 = arith.select %gt3A_218, %add3A_215, %mul3A_221 : vector<16xi1>, vector<16xf32>
      %exp3A_223 = math.exp %select_n3A_222 : vector<16xf32>
      %swap3A_224 = arith.constant 0 : index
      %swap3A_225 = tpu.vector_load %arg16[%swap3A_224] {strides = array<i32>} : memref<80xf32, #tpu.memory_space<vmem>>, vector<16xf32>,
      tpu.vector_store %arg16[%swap3A_224], %exp3A_223 {strides = array<i32>} : memref<80xf32, #tpu.memory_space<vmem>>, vector<16xf32>,
      %get3A_226 = arith.constant 0 : i32
      %get3A_227 = arith.index_cast %get3A_226 : i32 to index
      %get3A_228 = arith.constant 16 : index
      %get3A_229 = tpu.vector_load %arg15[%get3A_227, %get3A_228] {strides = array<i32>} : memref<3x80xi32, #tpu.memory_space<vmem>>, vector<16xi32>,
      %get3A_230 = arith.constant 1 : i32
      %get3A_231 = arith.index_cast %get3A_230 : i32 to index
      %get3A_232 = arith.constant 16 : index
      %get3A_233 = tpu.vector_load %arg15[%get3A_231, %get3A_232] {strides = array<i32>} : memref<3x80xi32, #tpu.memory_space<vmem>>, vector<16xi32>,
      %get3A_234 = arith.constant 2 : i32
      %get3A_235 = arith.index_cast %get3A_234 : i32 to index
      %get3A_236 = arith.constant 16 : index
      %get3A_237 = tpu.vector_load %arg15[%get3A_235, %get3A_236] {strides = array<i32>} : memref<3x80xi32, #tpu.memory_space<vmem>>, vector<16xi32>,
      %bitcast3A_238 = vector.bitcast %get3A_237 : vector<16xi32> to vector<16xf32>
      %gather3A_239 = tpu.vector_load_idx %arg12[%get3A_229] : memref<10000xf32, #tpu.memory_space<vmem>>[vector<16xi32>], vector<16xf32>,
      %gather3A_240 = tpu.vector_load_idx %arg13[%get3A_233] : memref<10000xf32, #tpu.memory_space<vmem>>[vector<16xi32>], vector<16xf32>,
      %add3A_241 = arith.addf %gather3A_239, %gather3A_240 : vector<16xf32>
      %add3A_242 = arith.addf %add3A_241, %bitcast3A_238 : vector<16xf32>
      %gt3A_243 = arith.constant 0.000000e+00 : f32
      %gt3A_244 = vector.broadcast %gt3A_243 : f32 to vector<16xf32>
      %gt3A_245 = arith.cmpf ogt, %add3A_242, %gt3A_244 : vector<16xf32>
      %mul3A_246 = arith.constant 2.000000e-01 : f32
      %mul3A_247 = vector.broadcast %mul3A_246 : f32 to vector<16xf32>
      %mul3A_248 = arith.mulf %mul3A_247, %add3A_242 : vector<16xf32>
      %select_n3A_249 = arith.select %gt3A_245, %add3A_242, %mul3A_248 : vector<16xi1>, vector<16xf32>
      %exp3A_250 = math.exp %select_n3A_249 : vector<16xf32>
      %swap3A_251 = arith.constant 16 : index
      %swap3A_252 = tpu.vector_load %arg16[%swap3A_251] {strides = array<i32>} : memref<80xf32, #tpu.memory_space<vmem>>, vector<16xf32>,
      tpu.vector_store %arg16[%swap3A_251], %exp3A_250 {strides = array<i32>} : memref<80xf32, #tpu.memory_space<vmem>>, vector<16xf32>,
      %get3A_253 = arith.constant 0 : i32
      %get3A_254 = arith.index_cast %get3A_253 : i32 to index
      %get3A_255 = arith.constant 32 : index
      %get3A_256 = tpu.vector_load %arg15[%get3A_254, %get3A_255] {strides = array<i32>} : memref<3x80xi32, #tpu.memory_space<vmem>>, vector<16xi32>,
      %get3A_257 = arith.constant 1 : i32
      %get3A_258 = arith.index_cast %get3A_257 : i32 to index
      %get3A_259 = arith.constant 32 : index
      %get3A_260 = tpu.vector_load %arg15[%get3A_258, %get3A_259] {strides = array<i32>} : memref<3x80xi32, #tpu.memory_space<vmem>>, vector<16xi32>,
      %get3A_261 = arith.constant 2 : i32
      %get3A_262 = arith.index_cast %get3A_261 : i32 to index
      %get3A_263 = arith.constant 32 : index
      %get3A_264 = tpu.vector_load %arg15[%get3A_262, %get3A_263] {strides = array<i32>} : memref<3x80xi32, #tpu.memory_space<vmem>>, vector<16xi32>,
      %bitcast3A_265 = vector.bitcast %get3A_264 : vector<16xi32> to vector<16xf32>
      %gather3A_266 = tpu.vector_load_idx %arg12[%get3A_256] : memref<10000xf32, #tpu.memory_space<vmem>>[vector<16xi32>], vector<16xf32>,
      %gather3A_267 = tpu.vector_load_idx %arg13[%get3A_260] : memref<10000xf32, #tpu.memory_space<vmem>>[vector<16xi32>], vector<16xf32>,
      %add3A_268 = arith.addf %gather3A_266, %gather3A_267 : vector<16xf32>
      %add3A_269 = arith.addf %add3A_268, %bitcast3A_265 : vector<16xf32>
      %gt3A_270 = arith.constant 0.000000e+00 : f32
      %gt3A_271 = vector.broadcast %gt3A_270 : f32 to vector<16xf32>
      %gt3A_272 = arith.cmpf ogt, %add3A_269, %gt3A_271 : vector<16xf32>
      %mul3A_273 = arith.constant 2.000000e-01 : f32
      %mul3A_274 = vector.broadcast %mul3A_273 : f32 to vector<16xf32>
      %mul3A_275 = arith.mulf %mul3A_274, %add3A_269 : vector<16xf32>
      %select_n3A_276 = arith.select %gt3A_272, %add3A_269, %mul3A_275 : vector<16xi1>, vector<16xf32>
      %exp3A_277 = math.exp %select_n3A_276 : vector<16xf32>
      %swap3A_278 = arith.constant 32 : index
      %swap3A_279 = tpu.vector_load %arg16[%swap3A_278] {strides = array<i32>} : memref<80xf32, #tpu.memory_space<vmem>>, vector<16xf32>,
      tpu.vector_store %arg16[%swap3A_278], %exp3A_277 {strides = array<i32>} : memref<80xf32, #tpu.memory_space<vmem>>, vector<16xf32>,
      %get3A_280 = arith.constant 0 : i32
      %get3A_281 = arith.index_cast %get3A_280 : i32 to index
      %get3A_282 = arith.constant 48 : index
      %get3A_283 = tpu.vector_load %arg15[%get3A_281, %get3A_282] {strides = array<i32>} : memref<3x80xi32, #tpu.memory_space<vmem>>, vector<16xi32>,
      %get3A_284 = arith.constant 1 : i32
      %get3A_285 = arith.index_cast %get3A_284 : i32 to index
      %get3A_286 = arith.constant 48 : index
      %get3A_287 = tpu.vector_load %arg15[%get3A_285, %get3A_286] {strides = array<i32>} : memref<3x80xi32, #tpu.memory_space<vmem>>, vector<16xi32>,
      %get3A_288 = arith.constant 2 : i32
      %get3A_289 = arith.index_cast %get3A_288 : i32 to index
      %get3A_290 = arith.constant 48 : index
      %get3A_291 = tpu.vector_load %arg15[%get3A_289, %get3A_290] {strides = array<i32>} : memref<3x80xi32, #tpu.memory_space<vmem>>, vector<16xi32>,
      %bitcast3A_292 = vector.bitcast %get3A_291 : vector<16xi32> to vector<16xf32>
      %gather3A_293 = tpu.vector_load_idx %arg12[%get3A_283] : memref<10000xf32, #tpu.memory_space<vmem>>[vector<16xi32>], vector<16xf32>,
      %gather3A_294 = tpu.vector_load_idx %arg13[%get3A_287] : memref<10000xf32, #tpu.memory_space<vmem>>[vector<16xi32>], vector<16xf32>,
      %add3A_295 = arith.addf %gather3A_293, %gather3A_294 : vector<16xf32>
      %add3A_296 = arith.addf %add3A_295, %bitcast3A_292 : vector<16xf32>
      %gt3A_297 = arith.constant 0.000000e+00 : f32
      %gt3A_298 = vector.broadcast %gt3A_297 : f32 to vector<16xf32>
      %gt3A_299 = arith.cmpf ogt, %add3A_296, %gt3A_298 : vector<16xf32>
      %mul3A_300 = arith.constant 2.000000e-01 : f32
      %mul3A_301 = vector.broadcast %mul3A_300 : f32 to vector<16xf32>
      %mul3A_302 = arith.mulf %mul3A_301, %add3A_296 : vector<16xf32>
      %select_n3A_303 = arith.select %gt3A_299, %add3A_296, %mul3A_302 : vector<16xi1>, vector<16xf32>
      %exp3A_304 = math.exp %select_n3A_303 : vector<16xf32>
      %swap3A_305 = arith.constant 48 : index
      %swap3A_306 = tpu.vector_load %arg16[%swap3A_305] {strides = array<i32>} : memref<80xf32, #tpu.memory_space<vmem>>, vector<16xf32>,
      tpu.vector_store %arg16[%swap3A_305], %exp3A_304 {strides = array<i32>} : memref<80xf32, #tpu.memory_space<vmem>>, vector<16xf32>,
      %get3A_307 = arith.constant 0 : i32
      %get3A_308 = arith.index_cast %get3A_307 : i32 to index
      %get3A_309 = arith.constant 64 : index
      %get3A_310 = tpu.vector_load %arg15[%get3A_308, %get3A_309] {strides = array<i32>} : memref<3x80xi32, #tpu.memory_space<vmem>>, vector<16xi32>,
      %get3A_311 = arith.constant 1 : i32
      %get3A_312 = arith.index_cast %get3A_311 : i32 to index
      %get3A_313 = arith.constant 64 : index
      %get3A_314 = tpu.vector_load %arg15[%get3A_312, %get3A_313] {strides = array<i32>} : memref<3x80xi32, #tpu.memory_space<vmem>>, vector<16xi32>,
      %get3A_315 = arith.constant 2 : i32
      %get3A_316 = arith.index_cast %get3A_315 : i32 to index
      %get3A_317 = arith.constant 64 : index
      %get3A_318 = tpu.vector_load %arg15[%get3A_316, %get3A_317] {strides = array<i32>} : memref<3x80xi32, #tpu.memory_space<vmem>>, vector<16xi32>,
      %bitcast3A_319 = vector.bitcast %get3A_318 : vector<16xi32> to vector<16xf32>
      %gather3A_320 = tpu.vector_load_idx %arg12[%get3A_310] : memref<10000xf32, #tpu.memory_space<vmem>>[vector<16xi32>], vector<16xf32>,
      %gather3A_321 = tpu.vector_load_idx %arg13[%get3A_314] : memref<10000xf32, #tpu.memory_space<vmem>>[vector<16xi32>], vector<16xf32>,
      %add3A_322 = arith.addf %gather3A_320, %gather3A_321 : vector<16xf32>
      %add3A_323 = arith.addf %add3A_322, %bitcast3A_319 : vector<16xf32>
      %gt3A_324 = arith.constant 0.000000e+00 : f32
      %gt3A_325 = vector.broadcast %gt3A_324 : f32 to vector<16xf32>
      %gt3A_326 = arith.cmpf ogt, %add3A_323, %gt3A_325 : vector<16xf32>
      %mul3A_327 = arith.constant 2.000000e-01 : f32
      %mul3A_328 = vector.broadcast %mul3A_327 : f32 to vector<16xf32>
      %mul3A_329 = arith.mulf %mul3A_328, %add3A_323 : vector<16xf32>
      %select_n3A_330 = arith.select %gt3A_326, %add3A_323, %mul3A_329 : vector<16xi1>, vector<16xf32>
      %exp3A_331 = math.exp %select_n3A_330 : vector<16xf32>
      %swap3A_332 = arith.constant 64 : index
      %swap3A_333 = tpu.vector_load %arg16[%swap3A_332] {strides = array<i32>} : memref<80xf32, #tpu.memory_space<vmem>>, vector<16xf32>,
      tpu.vector_store %arg16[%swap3A_332], %exp3A_331 {strides = array<i32>} : memref<80xf32, #tpu.memory_space<vmem>>, vector<16xf32>,
      %run_scoped3A_334 = arith.constant 1 : i32
      "tpu.region"() ({
        %run_scoped3A_346 = tpu.sem_alloc : memref<!tpu.dma_semaphore, #tpu.memory_space<semaphore_mem>>
        %dma_start3A_347 = arith.constant 0 : i32
        %dma_start3A_348 = tpu.memref_slice %arg15[%run_scoped3A_334, %dma_start3A_347] : memref<3x80xi32, #tpu.memory_space<vmem>> -> memref<1x80xi32, #tpu.memory_space<vmem>>
        %dma_start3A_349 = tpu.memref_squeeze %dma_start3A_348 : memref<1x80xi32, #tpu.memory_space<vmem>> -> memref<80xi32, #tpu.memory_space<vmem>>
        %dma_start3A_350 = arith.constant 0 : i32
        %dma_start3A_351 = tpu.memref_slice %arg19[%dma_start3A_350] : memref<10240xf32, #tpu.memory_space<vmem_shared>> -> memref<10240xf32, #tpu.memory_space<vmem_shared>>
        tpu.enqueue_indirect_dma source(%arg16 : memref<80xf32, #tpu.memory_space<vmem>>) target(%dma_start3A_351 : memref<10240xf32, #tpu.memory_space<vmem_shared>>) offsets(%dma_start3A_349 : memref<80xi32, #tpu.memory_space<vmem>>) semaphore(%run_scoped3A_346 : memref<!tpu.dma_semaphore, #tpu.memory_space<semaphore_mem>>) {add = true}
        %dma_wait3A_352 = arith.constant 0 : i32
        %dma_wait3A_353 = tpu.memref_slice %arg15[%run_scoped3A_334, %dma_wait3A_352] : memref<3x80xi32, #tpu.memory_space<vmem>> -> memref<1x80xi32, #tpu.memory_space<vmem>>
        %dma_wait3A_354 = tpu.memref_squeeze %dma_wait3A_353 : memref<1x80xi32, #tpu.memory_space<vmem>> -> memref<80xi32, #tpu.memory_space<vmem>>
        %dma_wait3A_355 = arith.constant 0 : i32
        %dma_wait3A_356 = tpu.memref_slice %arg19[%dma_wait3A_355] : memref<10240xf32, #tpu.memory_space<vmem_shared>> -> memref<10240xf32, #tpu.memory_space<vmem_shared>>
        tpu.wait_indirect_dma semaphore(%run_scoped3A_346 : memref<!tpu.dma_semaphore, #tpu.memory_space<semaphore_mem>>) src(%arg16 : memref<80xf32, #tpu.memory_space<vmem>>) dst(%dma_wait3A_356 : memref<10240xf32, #tpu.memory_space<vmem_shared>>)
        tpu.yield
      }) : () -> ()
      %dma_wait3A_335 = arith.constant 0 : i32
      %dma_wait3A_336 = arith.constant 0 : i32
      %dma_wait3A_337 = tpu.memref_slice %arg15[%dma_wait3A_335, %dma_wait3A_336] : memref<3x80xi32, #tpu.memory_space<vmem>> -> memref<1x80xi32, #tpu.memory_space<vmem>>
      %dma_wait3A_338 = tpu.memref_squeeze %dma_wait3A_337 : memref<1x80xi32, #tpu.memory_space<vmem>> -> memref<80xi32, #tpu.memory_space<vmem>>
      %dma_wait3A_339 = arith.constant 0 : i32
      %dma_wait3A_340 = arith.constant 0 : i32
      %dma_wait3A_341 = tpu.memref_slice %arg2[%dma_wait3A_339, %dma_wait3A_340] : memref<10000x128xf32, #tpu.memory_space<hbm>> -> memref<10000x128xf32, #tpu.memory_space<hbm>>
      tpu.wait_indirect_dma semaphore(%arg22 : memref<!tpu.dma_semaphore, #tpu.memory_space<semaphore_mem>>) src(%dma_wait3A_341 : memref<10000x128xf32, #tpu.memory_space<hbm>>) dst(%arg18 : memref<80x128xf32, #tpu.memory_space<vmem>>)
      %parallel_loop3A_342 = arith.constant 0 : i32
      %parallel_loop3A_343 = arith.constant 80 : i32
      %parallel_loop3A_344 = arith.constant 1 : i32
      scf.for %parallel_loop3A_346 = %parallel_loop3A_342 to %parallel_loop3A_343 step %parallel_loop3A_344  : i32 {
        %parallel_loop3A_347 = vector.broadcast %parallel_loop3A_346 : i32 to vector<16xi32>
        %parallel_loop3A_348 = tpu.vector_load_idx %arg16[%parallel_loop3A_347] : memref<80xf32, #tpu.memory_space<vmem>>[vector<16xi32>], vector<16xf32>,
        %parallel_loop3A_349 = arith.index_cast %parallel_loop3A_346 : i32 to index
        %parallel_loop3A_350 = arith.constant 0 : index
        %parallel_loop3A_351 = tpu.vector_load %arg18[%parallel_loop3A_349, %parallel_loop3A_350] {strides = array<i32>} : memref<80x128xf32, #tpu.memory_space<vmem>>, vector<16xf32>,
        %parallel_loop3A_352 = arith.mulf %parallel_loop3A_351, %parallel_loop3A_348 : vector<16xf32>
        %parallel_loop3A_353 = arith.index_cast %parallel_loop3A_346 : i32 to index
        %parallel_loop3A_354 = arith.constant 0 : index
        %parallel_loop3A_355 = tpu.vector_load %arg18[%parallel_loop3A_353, %parallel_loop3A_354] {strides = array<i32>} : memref<80x128xf32, #tpu.memory_space<vmem>>, vector<16xf32>,
        tpu.vector_store %arg18[%parallel_loop3A_353, %parallel_loop3A_354], %parallel_loop3A_352 {strides = array<i32>} : memref<80x128xf32, #tpu.memory_space<vmem>>, vector<16xf32>,
        %parallel_loop3A_356 = arith.index_cast %parallel_loop3A_346 : i32 to index
        %parallel_loop3A_357 = arith.constant 16 : index
        %parallel_loop3A_358 = tpu.vector_load %arg18[%parallel_loop3A_356, %parallel_loop3A_357] {strides = array<i32>} : memref<80x128xf32, #tpu.memory_space<vmem>>, vector<16xf32>,
        %parallel_loop3A_359 = arith.mulf %parallel_loop3A_358, %parallel_loop3A_348 : vector<16xf32>
        %parallel_loop3A_360 = arith.index_cast %parallel_loop3A_346 : i32 to index
        %parallel_loop3A_361 = arith.constant 16 : index
        %parallel_loop3A_362 = tpu.vector_load %arg18[%parallel_loop3A_360, %parallel_loop3A_361] {strides = array<i32>} : memref<80x128xf32, #tpu.memory_space<vmem>>, vector<16xf32>,
        tpu.vector_store %arg18[%parallel_loop3A_360, %parallel_loop3A_361], %parallel_loop3A_359 {strides = array<i32>} : memref<80x128xf32, #tpu.memory_space<vmem>>, vector<16xf32>,
        %parallel_loop3A_363 = arith.index_cast %parallel_loop3A_346 : i32 to index
        %parallel_loop3A_364 = arith.constant 32 : index
        %parallel_loop3A_365 = tpu.vector_load %arg18[%parallel_loop3A_363, %parallel_loop3A_364] {strides = array<i32>} : memref<80x128xf32, #tpu.memory_space<vmem>>, vector<16xf32>,
        %parallel_loop3A_366 = arith.mulf %parallel_loop3A_365, %parallel_loop3A_348 : vector<16xf32>
        %parallel_loop3A_367 = arith.index_cast %parallel_loop3A_346 : i32 to index
        %parallel_loop3A_368 = arith.constant 32 : index
        %parallel_loop3A_369 = tpu.vector_load %arg18[%parallel_loop3A_367, %parallel_loop3A_368] {strides = array<i32>} : memref<80x128xf32, #tpu.memory_space<vmem>>, vector<16xf32>,
        tpu.vector_store %arg18[%parallel_loop3A_367, %parallel_loop3A_368], %parallel_loop3A_366 {strides = array<i32>} : memref<80x128xf32, #tpu.memory_space<vmem>>, vector<16xf32>,
        %parallel_loop3A_370 = arith.index_cast %parallel_loop3A_346 : i32 to index
        %parallel_loop3A_371 = arith.constant 48 : index
        %parallel_loop3A_372 = tpu.vector_load %arg18[%parallel_loop3A_370, %parallel_loop3A_371] {strides = array<i32>} : memref<80x128xf32, #tpu.memory_space<vmem>>, vector<16xf32>,
        %parallel_loop3A_373 = arith.mulf %parallel_loop3A_372, %parallel_loop3A_348 : vector<16xf32>
        %parallel_loop3A_374 = arith.index_cast %parallel_loop3A_346 : i32 to index
        %parallel_loop3A_375 = arith.constant 48 : index
        %parallel_loop3A_376 = tpu.vector_load %arg18[%parallel_loop3A_374, %parallel_loop3A_375] {strides = array<i32>} : memref<80x128xf32, #tpu.memory_space<vmem>>, vector<16xf32>,
        tpu.vector_store %arg18[%parallel_loop3A_374, %parallel_loop3A_375], %parallel_loop3A_373 {strides = array<i32>} : memref<80x128xf32, #tpu.memory_space<vmem>>, vector<16xf32>,
        %parallel_loop3A_377 = arith.index_cast %parallel_loop3A_346 : i32 to index
        %parallel_loop3A_378 = arith.constant 64 : index
        %parallel_loop3A_379 = tpu.vector_load %arg18[%parallel_loop3A_377, %parallel_loop3A_378] {strides = array<i32>} : memref<80x128xf32, #tpu.memory_space<vmem>>, vector<16xf32>,
        %parallel_loop3A_380 = arith.mulf %parallel_loop3A_379, %parallel_loop3A_348 : vector<16xf32>
        %parallel_loop3A_381 = arith.index_cast %parallel_loop3A_346 : i32 to index
        %parallel_loop3A_382 = arith.constant 64 : index
        %parallel_loop3A_383 = tpu.vector_load %arg18[%parallel_loop3A_381, %parallel_loop3A_382] {strides = array<i32>} : memref<80x128xf32, #tpu.memory_space<vmem>>, vector<16xf32>,
        tpu.vector_store %arg18[%parallel_loop3A_381, %parallel_loop3A_382], %parallel_loop3A_380 {strides = array<i32>} : memref<80x128xf32, #tpu.memory_space<vmem>>, vector<16xf32>,
        %parallel_loop3A_384 = arith.index_cast %parallel_loop3A_346 : i32 to index
        %parallel_loop3A_385 = arith.constant 80 : index
        %parallel_loop3A_386 = tpu.vector_load %arg18[%parallel_loop3A_384, %parallel_loop3A_385] {strides = array<i32>} : memref<80x128xf32, #tpu.memory_space<vmem>>, vector<16xf32>,
        %parallel_loop3A_387 = arith.mulf %parallel_loop3A_386, %parallel_loop3A_348 : vector<16xf32>
        %parallel_loop3A_388 = arith.index_cast %parallel_loop3A_346 : i32 to index
        %parallel_loop3A_389 = arith.constant 80 : index
        %parallel_loop3A_390 = tpu.vector_load %arg18[%parallel_loop3A_388, %parallel_loop3A_389] {strides = array<i32>} : memref<80x128xf32, #tpu.memory_space<vmem>>, vector<16xf32>,
        tpu.vector_store %arg18[%parallel_loop3A_388, %parallel_loop3A_389], %parallel_loop3A_387 {strides = array<i32>} : memref<80x128xf32, #tpu.memory_space<vmem>>, vector<16xf32>,
        %parallel_loop3A_391 = arith.index_cast %parallel_loop3A_346 : i32 to index
        %parallel_loop3A_392 = arith.constant 96 : index
        %parallel_loop3A_393 = tpu.vector_load %arg18[%parallel_loop3A_391, %parallel_loop3A_392] {strides = array<i32>} : memref<80x128xf32, #tpu.memory_space<vmem>>, vector<16xf32>,
        %parallel_loop3A_394 = arith.mulf %parallel_loop3A_393, %parallel_loop3A_348 : vector<16xf32>
        %parallel_loop3A_395 = arith.index_cast %parallel_loop3A_346 : i32 to index
        %parallel_loop3A_396 = arith.constant 96 : index
        %parallel_loop3A_397 = tpu.vector_load %arg18[%parallel_loop3A_395, %parallel_loop3A_396] {strides = array<i32>} : memref<80x128xf32, #tpu.memory_space<vmem>>, vector<16xf32>,
        tpu.vector_store %arg18[%parallel_loop3A_395, %parallel_loop3A_396], %parallel_loop3A_394 {strides = array<i32>} : memref<80x128xf32, #tpu.memory_space<vmem>>, vector<16xf32>,
        %parallel_loop3A_398 = arith.index_cast %parallel_loop3A_346 : i32 to index
        %parallel_loop3A_399 = arith.constant 112 : index
        %parallel_loop3A_400 = tpu.vector_load %arg18[%parallel_loop3A_398, %parallel_loop3A_399] {strides = array<i32>} : memref<80x128xf32, #tpu.memory_space<vmem>>, vector<16xf32>,
        %parallel_loop3A_401 = arith.mulf %parallel_loop3A_400, %parallel_loop3A_348 : vector<16xf32>
        %parallel_loop3A_402 = arith.index_cast %parallel_loop3A_346 : i32 to index
        %parallel_loop3A_403 = arith.constant 112 : index
        %parallel_loop3A_404 = tpu.vector_load %arg18[%parallel_loop3A_402, %parallel_loop3A_403] {strides = array<i32>} : memref<80x128xf32, #tpu.memory_space<vmem>>, vector<16xf32>,
        tpu.vector_store %arg18[%parallel_loop3A_402, %parallel_loop3A_403], %parallel_loop3A_401 {strides = array<i32>} : memref<80x128xf32, #tpu.memory_space<vmem>>, vector<16xf32>,
      } {sc.loop_unroll_factor = 4 : i64, sc.parallel_access}
      %run_scoped3A_345 = arith.constant 1 : i32
      "tpu.region"() ({
        %run_scoped3A_346 = tpu.sem_alloc : memref<!tpu.dma_semaphore, #tpu.memory_space<semaphore_mem>>
        %dma_start3A_347 = arith.constant 0 : i32
        %dma_start3A_348 = tpu.memref_slice %arg15[%run_scoped3A_345, %dma_start3A_347] : memref<3x80xi32, #tpu.memory_space<vmem>> -> memref<1x80xi32, #tpu.memory_space<vmem>>
        %dma_start3A_349 = tpu.memref_squeeze %dma_start3A_348 : memref<1x80xi32, #tpu.memory_space<vmem>> -> memref<80xi32, #tpu.memory_space<vmem>>
        %dma_start3A_350 = arith.constant 0 : i32
        %dma_start3A_351 = arith.constant 0 : i32
        %dma_start3A_352 = tpu.memref_slice %arg20[%dma_start3A_350, %dma_start3A_351] : memref<10240x128xf32, #tpu.memory_space<vmem_shared>> -> memref<10240x128xf32, #tpu.memory_space<vmem_shared>>
        tpu.enqueue_indirect_dma source(%arg18 : memref<80x128xf32, #tpu.memory_space<vmem>>) target(%dma_start3A_352 : memref<10240x128xf32, #tpu.memory_space<vmem_shared>>) offsets(%dma_start3A_349 : memref<80xi32, #tpu.memory_space<vmem>>) semaphore(%run_scoped3A_346 : memref<!tpu.dma_semaphore, #tpu.memory_space<semaphore_mem>>) {add = true}
        %dma_wait3A_353 = arith.constant 0 : i32
        %dma_wait3A_354 = tpu.memref_slice %arg15[%run_scoped3A_345, %dma_wait3A_353] : memref<3x80xi32, #tpu.memory_space<vmem>> -> memref<1x80xi32, #tpu.memory_space<vmem>>
        %dma_wait3A_355 = tpu.memref_squeeze %dma_wait3A_354 : memref<1x80xi32, #tpu.memory_space<vmem>> -> memref<80xi32, #tpu.memory_space<vmem>>
        %dma_wait3A_356 = arith.constant 0 : i32
        %dma_wait3A_357 = arith.constant 0 : i32
        %dma_wait3A_358 = tpu.memref_slice %arg20[%dma_wait3A_356, %dma_wait3A_357] : memref<10240x128xf32, #tpu.memory_space<vmem_shared>> -> memref<10240x128xf32, #tpu.memory_space<vmem_shared>>
        tpu.wait_indirect_dma semaphore(%run_scoped3A_346 : memref<!tpu.dma_semaphore, #tpu.memory_space<semaphore_mem>>) src(%arg18 : memref<80x128xf32, #tpu.memory_space<vmem>>) dst(%dma_wait3A_358 : memref<10240x128xf32, #tpu.memory_space<vmem_shared>>)
        tpu.yield
      }) : () -> ()
    }
    %scan3A_15 = arith.constant 64 : i32
    %dma_wait3A = arith.constant 0 : i32
    %dma_wait3A_16 = arith.constant 0 : i32
    %dma_wait3A_17 = tpu.memref_slice %arg14[%dma_wait3A, %dma_wait3A_16] : memref<3x80xi32, #tpu.memory_space<vmem>> -> memref<1x80xi32, #tpu.memory_space<vmem>>
    %dma_wait3A_18 = tpu.memref_squeeze %dma_wait3A_17 : memref<1x80xi32, #tpu.memory_space<vmem>> -> memref<80xi32, #tpu.memory_space<vmem>>
    %dma_wait3A_19 = arith.constant 0 : i32
    %dma_wait3A_20 = arith.constant 0 : i32
    %dma_wait3A_21 = tpu.memref_slice %arg2[%dma_wait3A_19, %dma_wait3A_20] : memref<10000x128xf32, #tpu.memory_space<hbm>> -> memref<10000x128xf32, #tpu.memory_space<hbm>>
    tpu.wait_indirect_dma semaphore(%arg21 : memref<!tpu.dma_semaphore, #tpu.memory_space<semaphore_mem>>) src(%dma_wait3A_21 : memref<10000x128xf32, #tpu.memory_space<hbm>>) dst(%arg17 : memref<80x128xf32, #tpu.memory_space<vmem>>)
    %barrier3A_22 = arith.constant 0 : index
    tpu.barrier barrier_id(%barrier3A_22)
    %mul3A_23 = arith.constant 640 : i32
    %mul3A_24 = arith.muli %arg1, %mul3A_23 : i32
    %eq3A = arith.constant 0 : i32
    %eq3A_25 = arith.cmpi eq, %arg0, %eq3A : i32
    %convert_element_type3A = arith.extui %eq3A_25 : i1 to i32
    %cond3A = arith.constant 0 : i32
    %cond3A_26 = arith.cmpi ne, %convert_element_type3A, %cond3A : i32
    scf.if %cond3A_26 {
      "tpu.region"() ({
        %run_scoped3A_32 = tpu.sem_alloc : memref<!tpu.dma_semaphore, #tpu.memory_space<semaphore_mem>>
        %dma_start3A_33 = tpu.memref_slice %arg8[%mul3A_24] : memref<10240xf32, #tpu.memory_space<hbm>> -> memref<640xf32, #tpu.memory_space<hbm>>
        %dma_start3A_34 = tpu.memref_slice %arg19[%mul3A_24] : memref<10240xf32, #tpu.memory_space<vmem_shared>> -> memref<640xf32, #tpu.memory_space<vmem_shared>>
        tpu.enqueue_dma source(%dma_start3A_34 : memref<640xf32, #tpu.memory_space<vmem_shared>>) target(%dma_start3A_33 : memref<640xf32, #tpu.memory_space<hbm>>) target_semaphore(%run_scoped3A_32 : memref<!tpu.dma_semaphore, #tpu.memory_space<semaphore_mem>>)
        %dma_wait3A_35 = tpu.memref_slice %arg8[%mul3A_24] : memref<10240xf32, #tpu.memory_space<hbm>> -> memref<640xf32, #tpu.memory_space<hbm>>
        %dma_wait3A_36 = tpu.memref_slice %arg19[%mul3A_24] : memref<10240xf32, #tpu.memory_space<vmem_shared>> -> memref<640xf32, #tpu.memory_space<vmem_shared>>
        tpu.wait_dma2 semaphore(%run_scoped3A_32 : memref<!tpu.dma_semaphore, #tpu.memory_space<semaphore_mem>>) src(%dma_wait3A_36 : memref<640xf32, #tpu.memory_space<vmem_shared>>) dst(%dma_wait3A_35 : memref<640xf32, #tpu.memory_space<hbm>>)
        tpu.yield
      }) : () -> ()
      "tpu.region"() ({
        %run_scoped3A_32 = tpu.sem_alloc : memref<!tpu.dma_semaphore, #tpu.memory_space<semaphore_mem>>
        %dma_start3A_33 = arith.constant 0 : i32
        %dma_start3A_34 = tpu.memref_slice %arg10[%mul3A_24, %dma_start3A_33] : memref<10240x128xf32, #tpu.memory_space<hbm>> -> memref<640x128xf32, #tpu.memory_space<hbm>>
        %dma_start3A_35 = arith.constant 0 : i32
        %dma_start3A_36 = tpu.memref_slice %arg20[%mul3A_24, %dma_start3A_35] : memref<10240x128xf32, #tpu.memory_space<vmem_shared>> -> memref<640x128xf32, #tpu.memory_space<vmem_shared>>
        tpu.enqueue_dma source(%dma_start3A_36 : memref<640x128xf32, #tpu.memory_space<vmem_shared>>) target(%dma_start3A_34 : memref<640x128xf32, #tpu.memory_space<hbm>>) target_semaphore(%run_scoped3A_32 : memref<!tpu.dma_semaphore, #tpu.memory_space<semaphore_mem>>)
        %dma_wait3A_37 = arith.constant 0 : i32
        %dma_wait3A_38 = tpu.memref_slice %arg10[%mul3A_24, %dma_wait3A_37] : memref<10240x128xf32, #tpu.memory_space<hbm>> -> memref<640x128xf32, #tpu.memory_space<hbm>>
        %dma_wait3A_39 = arith.constant 0 : i32
        %dma_wait3A_40 = tpu.memref_slice %arg20[%mul3A_24, %dma_wait3A_39] : memref<10240x128xf32, #tpu.memory_space<vmem_shared>> -> memref<640x128xf32, #tpu.memory_space<vmem_shared>>
        tpu.wait_dma2 semaphore(%run_scoped3A_32 : memref<!tpu.dma_semaphore, #tpu.memory_space<semaphore_mem>>) src(%dma_wait3A_40 : memref<640x128xf32, #tpu.memory_space<vmem_shared>>) dst(%dma_wait3A_38 : memref<640x128xf32, #tpu.memory_space<hbm>>)
        tpu.yield
      }) : () -> ()
    } else {
    }
    %eq3A_27 = arith.constant 1 : i32
    %eq3A_28 = arith.cmpi eq, %arg0, %eq3A_27 : i32
    %convert_element_type3A_29 = arith.extui %eq3A_28 : i1 to i32
    %cond3A_30 = arith.constant 0 : i32
    %cond3A_31 = arith.cmpi ne, %convert_element_type3A_29, %cond3A_30 : i32
    scf.if %cond3A_31 {
      "tpu.region"() ({
        %run_scoped3A_32 = tpu.sem_alloc : memref<!tpu.dma_semaphore, #tpu.memory_space<semaphore_mem>>
        %dma_start3A_33 = tpu.memref_slice %arg9[%mul3A_24] : memref<10240xf32, #tpu.memory_space<hbm>> -> memref<640xf32, #tpu.memory_space<hbm>>
        %dma_start3A_34 = tpu.memref_slice %arg19[%mul3A_24] : memref<10240xf32, #tpu.memory_space<vmem_shared>> -> memref<640xf32, #tpu.memory_space<vmem_shared>>
        tpu.enqueue_dma source(%dma_start3A_34 : memref<640xf32, #tpu.memory_space<vmem_shared>>) target(%dma_start3A_33 : memref<640xf32, #tpu.memory_space<hbm>>) target_semaphore(%run_scoped3A_32 : memref<!tpu.dma_semaphore, #tpu.memory_space<semaphore_mem>>)
        %dma_wait3A_35 = tpu.memref_slice %arg9[%mul3A_24] : memref<10240xf32, #tpu.memory_space<hbm>> -> memref<640xf32, #tpu.memory_space<hbm>>
        %dma_wait3A_36 = tpu.memref_slice %arg19[%mul3A_24] : memref<10240xf32, #tpu.memory_space<vmem_shared>> -> memref<640xf32, #tpu.memory_space<vmem_shared>>
        tpu.wait_dma2 semaphore(%run_scoped3A_32 : memref<!tpu.dma_semaphore, #tpu.memory_space<semaphore_mem>>) src(%dma_wait3A_36 : memref<640xf32, #tpu.memory_space<vmem_shared>>) dst(%dma_wait3A_35 : memref<640xf32, #tpu.memory_space<hbm>>)
        tpu.yield
      }) : () -> ()
      "tpu.region"() ({
        %run_scoped3A_32 = tpu.sem_alloc : memref<!tpu.dma_semaphore, #tpu.memory_space<semaphore_mem>>
        %dma_start3A_33 = arith.constant 0 : i32
        %dma_start3A_34 = tpu.memref_slice %arg11[%mul3A_24, %dma_start3A_33] : memref<10240x128xf32, #tpu.memory_space<hbm>> -> memref<640x128xf32, #tpu.memory_space<hbm>>
        %dma_start3A_35 = arith.constant 0 : i32
        %dma_start3A_36 = tpu.memref_slice %arg20[%mul3A_24, %dma_start3A_35] : memref<10240x128xf32, #tpu.memory_space<vmem_shared>> -> memref<640x128xf32, #tpu.memory_space<vmem_shared>>
        tpu.enqueue_dma source(%dma_start3A_36 : memref<640x128xf32, #tpu.memory_space<vmem_shared>>) target(%dma_start3A_34 : memref<640x128xf32, #tpu.memory_space<hbm>>) target_semaphore(%run_scoped3A_32 : memref<!tpu.dma_semaphore, #tpu.memory_space<semaphore_mem>>)
        %dma_wait3A_37 = arith.constant 0 : i32
        %dma_wait3A_38 = tpu.memref_slice %arg11[%mul3A_24, %dma_wait3A_37] : memref<10240x128xf32, #tpu.memory_space<hbm>> -> memref<640x128xf32, #tpu.memory_space<hbm>>
        %dma_wait3A_39 = arith.constant 0 : i32
        %dma_wait3A_40 = tpu.memref_slice %arg20[%mul3A_24, %dma_wait3A_39] : memref<10240x128xf32, #tpu.memory_space<vmem_shared>> -> memref<640x128xf32, #tpu.memory_space<vmem_shared>>
        tpu.wait_dma2 semaphore(%run_scoped3A_32 : memref<!tpu.dma_semaphore, #tpu.memory_space<semaphore_mem>>) src(%dma_wait3A_40 : memref<640x128xf32, #tpu.memory_space<vmem_shared>>) dst(%dma_wait3A_38 : memref<640x128xf32, #tpu.memory_space<hbm>>)
        tpu.yield
      }) : () -> ()
    } else {
    }
    return
  }
}

module attributes {stable_mosaic.version = 14 : i64} {
  func.func @_edge_body(%arg0: i32, %arg1: memref<8000x16xf32, #tpu.memory_space<vmem>>, %arg2: memref<16x128xf32, #tpu.memory_space<vmem>>, %arg3: memref<1x128xf32, #tpu.memory_space<vmem>>, %arg4: memref<8000x1xf32, #tpu.memory_space<vmem>>) attributes {dimension_semantics = [#tpu.dimension_semantics<arbitrary>], iteration_bounds = array<i64: 40>, scalar_prefetch = 0 : i64, scratch_operands = 0 : i64, tpu.core_type = #tpu.core_type<tc>, window_params = [{transform_indices = @transform_0, window_bounds = array<i64: 8000, 16>}, {pipeline_mode = #tpu.pipeline_mode<synchronous>, transform_indices = @transform_1, window_bounds = array<i64: 16, 128>}, {pipeline_mode = #tpu.pipeline_mode<synchronous>, transform_indices = @transform_2, window_bounds = array<i64: 1, 128>}, {transform_indices = @transform_3, window_bounds = array<i64: 8000, 1>}]} {
    %get3A = arith.constant 0 : index
    %get3A_0 = arith.constant 0 : index
    %get3A_1 = vector.load %arg2[%get3A, %get3A_0] : memref<16x128xf32, #tpu.memory_space<vmem>>, vector<16x128xf32>
    %get3A_2 = arith.constant 0 : index
    %get3A_3 = arith.constant 0 : index
    %get3A_4 = vector.load %arg3[%get3A_2, %get3A_3] : memref<1x128xf32, #tpu.memory_space<vmem>>, vector<1x128xf32>
    %mul3A = vector.broadcast %get3A_4 : vector<1x128xf32> to vector<16x128xf32>
    %mul3A_5 = arith.mulf %get3A_1, %mul3A : vector<16x128xf32>
    %reduce_sum3A = arith.constant dense<0.000000e+00> : vector<16xf32>
    %reduce_sum3A_6 = vector.multi_reduction <add>, %mul3A_5, %reduce_sum3A [1] : vector<16x128xf32> to vector<16xf32>
    %broadcast_in_dim3A = vector.shape_cast %reduce_sum3A_6 : vector<16xf32> to vector<16x1xf32>
    %get3A_7 = arith.constant 0 : index
    %get3A_8 = arith.constant 0 : index
    %get3A_9 = vector.load %arg1[%get3A_7, %get3A_8] : memref<8000x16xf32, #tpu.memory_space<vmem>>, vector<8000x16xf32>
    %dot_general3A = arith.constant dense<0.000000e+00> : vector<8000x1xf32>
    %dot_general3A_10 = tpu.matmul %get3A_9, %broadcast_in_dim3A, %dot_general3A {dimension_numbers = #tpu.dot_dimension_numbers<[1], [0], [0], [1], [0, 0, 1, 1], [], []>, transpose_lhs_hint = false} : vector<8000x16xf32>, vector<16x1xf32>, vector<8000x1xf32> -> vector<8000x1xf32>
    %swap3A = arith.constant 0 : index
    %swap3A_11 = arith.constant 0 : index
    %swap3A_12 = vector.load %arg4[%swap3A, %swap3A_11] : memref<8000x1xf32, #tpu.memory_space<vmem>>, vector<8000x1xf32>
    tpu.vector_store %arg4[%swap3A, %swap3A_11], %dot_general3A_10 {strides = array<i32>} : memref<8000x1xf32, #tpu.memory_space<vmem>>, vector<8000x1xf32>,
    return
  }
  func.func @transform_0(%arg0: i32) -> (i32, i32) {
    %c0_i32 = arith.constant 0 : i32
    %c0_i32_0 = arith.constant 0 : i32
    return %arg0, %c0_i32 : i32, i32
  }
  func.func @transform_1(%arg0: i32) -> (i32, i32) {
    %c0_i32 = arith.constant 0 : i32
    %c0_i32_0 = arith.constant 0 : i32
    %c0_i32_1 = arith.constant 0 : i32
    return %c0_i32, %c0_i32_0 : i32, i32
  }
  func.func @transform_2(%arg0: i32) -> (i32, i32) {
    %c0_i32 = arith.constant 0 : i32
    %c0_i32_0 = arith.constant 0 : i32
    %c0_i32_1 = arith.constant 0 : i32
    return %c0_i32, %c0_i32_0 : i32, i32
  }
  func.func @transform_3(%arg0: i32) -> (i32, i32) {
    %c0_i32 = arith.constant 0 : i32
    %c0_i32_0 = arith.constant 0 : i32
    return %arg0, %c0_i32 : i32, i32
  }
}

module attributes {stable_mosaic.version = 14 : i64} {
  func.func @_pre_body(%arg0: i32, %arg1: memref<400x128xf32, #tpu.memory_space<vmem>>, %arg2: memref<128x128xf32, #tpu.memory_space<vmem>>, %arg3: memref<1x128xf32, #tpu.memory_space<vmem>>, %arg4: memref<1x128xf32, #tpu.memory_space<vmem>>, %arg5: memref<400x128xf32, #tpu.memory_space<vmem>>, %arg6: memref<400x1xf32, #tpu.memory_space<vmem>>, %arg7: memref<400x1xf32, #tpu.memory_space<vmem>>) attributes {dimension_semantics = [#tpu.dimension_semantics<arbitrary>], iteration_bounds = array<i64: 25>, scalar_prefetch = 0 : i64, scratch_operands = 0 : i64, tpu.core_type = #tpu.core_type<tc>, window_params = [{transform_indices = @transform_0, window_bounds = array<i64: 400, 128>}, {pipeline_mode = #tpu.pipeline_mode<synchronous>, transform_indices = @transform_1, window_bounds = array<i64: 128, 128>}, {pipeline_mode = #tpu.pipeline_mode<synchronous>, transform_indices = @transform_2, window_bounds = array<i64: 1, 128>}, {pipeline_mode = #tpu.pipeline_mode<synchronous>, transform_indices = @transform_3, window_bounds = array<i64: 1, 128>}, {transform_indices = @transform_4, window_bounds = array<i64: 400, 128>}, {transform_indices = @transform_5, window_bounds = array<i64: 400, 1>}, {transform_indices = @transform_6, window_bounds = array<i64: 400, 1>}]} {
    %get3A = arith.constant 0 : index
    %get3A_0 = arith.constant 0 : index
    %get3A_1 = vector.load %arg1[%get3A, %get3A_0] : memref<400x128xf32, #tpu.memory_space<vmem>>, vector<400x128xf32>
    %get3A_2 = arith.constant 0 : index
    %get3A_3 = arith.constant 0 : index
    %get3A_4 = vector.load %arg2[%get3A_2, %get3A_3] : memref<128x128xf32, #tpu.memory_space<vmem>>, vector<128x128xf32>
    %dot_general3A = arith.constant dense<0.000000e+00> : vector<400x128xf32>
    %dot_general3A_5 = tpu.matmul %get3A_1, %get3A_4, %dot_general3A {dimension_numbers = #tpu.dot_dimension_numbers<[1], [0], [0], [1], [0, 0, 1, 1], [], []>, transpose_lhs_hint = false} : vector<400x128xf32>, vector<128x128xf32>, vector<400x128xf32> -> vector<400x128xf32>
    %swap3A = arith.constant 0 : index
    %swap3A_6 = arith.constant 0 : index
    %swap3A_7 = vector.load %arg5[%swap3A, %swap3A_6] : memref<400x128xf32, #tpu.memory_space<vmem>>, vector<400x128xf32>
    tpu.vector_store %arg5[%swap3A, %swap3A_6], %dot_general3A_5 {strides = array<i32>} : memref<400x128xf32, #tpu.memory_space<vmem>>, vector<400x128xf32>,
    %get3A_8 = arith.constant 0 : index
    %get3A_9 = arith.constant 0 : index
    %get3A_10 = vector.load %arg3[%get3A_8, %get3A_9] : memref<1x128xf32, #tpu.memory_space<vmem>>, vector<1x128xf32>
    %mul3A = vector.broadcast %get3A_10 : vector<1x128xf32> to vector<400x128xf32>
    %mul3A_11 = arith.mulf %dot_general3A_5, %mul3A : vector<400x128xf32>
    %reduce_sum3A = arith.constant dense<0.000000e+00> : vector<400xf32>
    %reduce_sum3A_12 = vector.multi_reduction <add>, %mul3A_11, %reduce_sum3A [1] : vector<400x128xf32> to vector<400xf32>
    %broadcast_in_dim3A = vector.shape_cast %reduce_sum3A_12 : vector<400xf32> to vector<400x1xf32>
    %swap3A_13 = arith.constant 0 : index
    %swap3A_14 = arith.constant 0 : index
    %swap3A_15 = vector.load %arg6[%swap3A_13, %swap3A_14] : memref<400x1xf32, #tpu.memory_space<vmem>>, vector<400x1xf32>
    tpu.vector_store %arg6[%swap3A_13, %swap3A_14], %broadcast_in_dim3A {strides = array<i32>} : memref<400x1xf32, #tpu.memory_space<vmem>>, vector<400x1xf32>,
    %get3A_16 = arith.constant 0 : index
    %get3A_17 = arith.constant 0 : index
    %get3A_18 = vector.load %arg4[%get3A_16, %get3A_17] : memref<1x128xf32, #tpu.memory_space<vmem>>, vector<1x128xf32>
    %mul3A_19 = vector.broadcast %get3A_18 : vector<1x128xf32> to vector<400x128xf32>
    %mul3A_20 = arith.mulf %dot_general3A_5, %mul3A_19 : vector<400x128xf32>
    %reduce_sum3A_21 = arith.constant dense<0.000000e+00> : vector<400xf32>
    %reduce_sum3A_22 = vector.multi_reduction <add>, %mul3A_20, %reduce_sum3A_21 [1] : vector<400x128xf32> to vector<400xf32>
    %broadcast_in_dim3A_23 = vector.shape_cast %reduce_sum3A_22 : vector<400xf32> to vector<400x1xf32>
    %swap3A_24 = arith.constant 0 : index
    %swap3A_25 = arith.constant 0 : index
    %swap3A_26 = vector.load %arg7[%swap3A_24, %swap3A_25] : memref<400x1xf32, #tpu.memory_space<vmem>>, vector<400x1xf32>
    tpu.vector_store %arg7[%swap3A_24, %swap3A_25], %broadcast_in_dim3A_23 {strides = array<i32>} : memref<400x1xf32, #tpu.memory_space<vmem>>, vector<400x1xf32>,
    return
  }
  func.func @transform_0(%arg0: i32) -> (i32, i32) {
    %c0_i32 = arith.constant 0 : i32
    %c0_i32_0 = arith.constant 0 : i32
    return %arg0, %c0_i32 : i32, i32
  }
  func.func @transform_1(%arg0: i32) -> (i32, i32) {
    %c0_i32 = arith.constant 0 : i32
    %c0_i32_0 = arith.constant 0 : i32
    %c0_i32_1 = arith.constant 0 : i32
    return %c0_i32, %c0_i32_0 : i32, i32
  }
  func.func @transform_2(%arg0: i32) -> (i32, i32) {
    %c0_i32 = arith.constant 0 : i32
    %c0_i32_0 = arith.constant 0 : i32
    %c0_i32_1 = arith.constant 0 : i32
    return %c0_i32, %c0_i32_0 : i32, i32
  }
  func.func @transform_3(%arg0: i32) -> (i32, i32) {
    %c0_i32 = arith.constant 0 : i32
    %c0_i32_0 = arith.constant 0 : i32
    %c0_i32_1 = arith.constant 0 : i32
    return %c0_i32, %c0_i32_0 : i32, i32
  }
  func.func @transform_4(%arg0: i32) -> (i32, i32) {
    %c0_i32 = arith.constant 0 : i32
    %c0_i32_0 = arith.constant 0 : i32
    return %arg0, %c0_i32 : i32, i32
  }
  func.func @transform_5(%arg0: i32) -> (i32, i32) {
    %c0_i32 = arith.constant 0 : i32
    %c0_i32_0 = arith.constant 0 : i32
    return %arg0, %c0_i32 : i32, i32
  }
  func.func @transform_6(%arg0: i32) -> (i32, i32) {
    %c0_i32 = arith.constant 0 : i32
    %c0_i32_0 = arith.constant 0 : i32
    return %arg0, %c0_i32 : i32, i32
  }
}

module attributes {stable_mosaic.version = 14 : i64} {
  func.func @_post_body(%arg0: i32, %arg1: memref<400x128xf32, #tpu.memory_space<vmem>>, %arg2: memref<400x128xf32, #tpu.memory_space<vmem>>, %arg3: memref<400x1xf32, #tpu.memory_space<vmem>>, %arg4: memref<400x1xf32, #tpu.memory_space<vmem>>, %arg5: memref<400x128xf32, #tpu.memory_space<vmem>>, %arg6: memref<1x128xf32, #tpu.memory_space<vmem>>, %arg7: memref<128x512xf32, #tpu.memory_space<vmem>>, %arg8: memref<1x512xf32, #tpu.memory_space<vmem>>, %arg9: memref<512x128xf32, #tpu.memory_space<vmem>>, %arg10: memref<1x128xf32, #tpu.memory_space<vmem>>, %arg11: memref<1x128xf32, #tpu.memory_space<vmem>>, %arg12: memref<1x128xf32, #tpu.memory_space<vmem>>, %arg13: memref<1x128xf32, #tpu.memory_space<vmem>>, %arg14: memref<1x128xf32, #tpu.memory_space<vmem>>, %arg15: memref<400x128xf32, #tpu.memory_space<vmem>>) attributes {dimension_semantics = [#tpu.dimension_semantics<arbitrary>], iteration_bounds = array<i64: 25>, scalar_prefetch = 0 : i64, scratch_operands = 0 : i64, tpu.core_type = #tpu.core_type<tc>, window_params = [{transform_indices = @transform_0, window_bounds = array<i64: 400, 128>}, {transform_indices = @transform_1, window_bounds = array<i64: 400, 128>}, {transform_indices = @transform_2, window_bounds = array<i64: 400, 1>}, {transform_indices = @transform_3, window_bounds = array<i64: 400, 1>}, {transform_indices = @transform_4, window_bounds = array<i64: 400, 128>}, {pipeline_mode = #tpu.pipeline_mode<synchronous>, transform_indices = @transform_5, window_bounds = array<i64: 1, 128>}, {pipeline_mode = #tpu.pipeline_mode<synchronous>, transform_indices = @transform_6, window_bounds = array<i64: 128, 512>}, {pipeline_mode = #tpu.pipeline_mode<synchronous>, transform_indices = @transform_7, window_bounds = array<i64: 1, 512>}, {pipeline_mode = #tpu.pipeline_mode<synchronous>, transform_indices = @transform_8, window_bounds = array<i64: 512, 128>}, {pipeline_mode = #tpu.pipeline_mode<synchronous>, transform_indices = @transform_9, window_bounds = array<i64: 1, 128>}, {pipeline_mode = #tpu.pipeline_mode<synchronous>, transform_indices = @transform_10, window_bounds = array<i64: 1, 128>}, {pipeline_mode = #tpu.pipeline_mode<synchronous>, transform_indices = @transform_11, window_bounds = array<i64: 1, 128>}, {pipeline_mode = #tpu.pipeline_mode<synchronous>, transform_indices = @transform_12, window_bounds = array<i64: 1, 128>}, {pipeline_mode = #tpu.pipeline_mode<synchronous>, transform_indices = @transform_13, window_bounds = array<i64: 1, 128>}, {transform_indices = @transform_14, window_bounds = array<i64: 400, 128>}]} {
    %get3A = arith.constant 0 : index
    %get3A_0 = arith.constant 0 : index
    %get3A_1 = vector.load %arg3[%get3A, %get3A_0] : memref<400x1xf32, #tpu.memory_space<vmem>>, vector<400x1xf32>
    %get3A_2 = arith.constant 0 : index
    %get3A_3 = arith.constant 0 : index
    %get3A_4 = vector.load %arg4[%get3A_2, %get3A_3] : memref<400x1xf32, #tpu.memory_space<vmem>>, vector<400x1xf32>
    %add3A = arith.addf %get3A_1, %get3A_4 : vector<400x1xf32>
    %add3A_5 = arith.constant 1.000000e-16 : f32
    %add3A_6 = vector.broadcast %add3A_5 : f32 to vector<400x1xf32>
    %add3A_7 = arith.addf %add3A, %add3A_6 : vector<400x1xf32>
    %get3A_8 = arith.constant 0 : index
    %get3A_9 = arith.constant 0 : index
    %get3A_10 = vector.load %arg1[%get3A_8, %get3A_9] : memref<400x128xf32, #tpu.memory_space<vmem>>, vector<400x128xf32>
    %get3A_11 = arith.constant 0 : index
    %get3A_12 = arith.constant 0 : index
    %get3A_13 = vector.load %arg2[%get3A_11, %get3A_12] : memref<400x128xf32, #tpu.memory_space<vmem>>, vector<400x128xf32>
    %add3A_14 = arith.addf %get3A_10, %get3A_13 : vector<400x128xf32>
    %div3A = vector.broadcast %add3A_7 : vector<400x1xf32> to vector<400x128xf32>
    %div3A_15 = arith.divf %add3A_14, %div3A : vector<400x128xf32>
    %get3A_16 = arith.constant 0 : index
    %get3A_17 = arith.constant 0 : index
    %get3A_18 = vector.load %arg6[%get3A_16, %get3A_17] : memref<1x128xf32, #tpu.memory_space<vmem>>, vector<1x128xf32>
    %add3A_19 = vector.broadcast %get3A_18 : vector<1x128xf32> to vector<400x128xf32>
    %add3A_20 = arith.addf %div3A_15, %add3A_19 : vector<400x128xf32>
    %get3A_21 = arith.constant 0 : index
    %get3A_22 = arith.constant 0 : index
    %get3A_23 = vector.load %arg5[%get3A_21, %get3A_22] : memref<400x128xf32, #tpu.memory_space<vmem>>, vector<400x128xf32>
    %add3A_24 = arith.addf %add3A_20, %get3A_23 : vector<400x128xf32>
    %get3A_25 = arith.constant 0 : index
    %get3A_26 = arith.constant 0 : index
    %get3A_27 = vector.load %arg11[%get3A_25, %get3A_26] : memref<1x128xf32, #tpu.memory_space<vmem>>, vector<1x128xf32>
    %get3A_28 = arith.constant 0 : index
    %get3A_29 = arith.constant 0 : index
    %get3A_30 = vector.load %arg12[%get3A_28, %get3A_29] : memref<1x128xf32, #tpu.memory_space<vmem>>, vector<1x128xf32>
    %reduce_sum3A = arith.constant dense<0.000000e+00> : vector<400xf32>
    %reduce_sum3A_31 = vector.multi_reduction <add>, %add3A_24, %reduce_sum3A [1] : vector<400x128xf32> to vector<400xf32>
    %broadcast_in_dim3A = vector.shape_cast %reduce_sum3A_31 : vector<400xf32> to vector<400x1xf32>
    %div3A_32 = arith.constant 1.280000e+02 : f32
    %div3A_33 = vector.broadcast %div3A_32 : f32 to vector<400x1xf32>
    %div3A_34 = arith.divf %broadcast_in_dim3A, %div3A_33 : vector<400x1xf32>
    %sub3A = vector.broadcast %div3A_34 : vector<400x1xf32> to vector<400x128xf32>
    %sub3A_35 = arith.subf %add3A_24, %sub3A : vector<400x128xf32>
    %mul3A = arith.mulf %sub3A_35, %sub3A_35 : vector<400x128xf32>
    %reduce_sum3A_36 = arith.constant dense<0.000000e+00> : vector<400xf32>
    %reduce_sum3A_37 = vector.multi_reduction <add>, %mul3A, %reduce_sum3A_36 [1] : vector<400x128xf32> to vector<400xf32>
    %broadcast_in_dim3A_38 = vector.shape_cast %reduce_sum3A_37 : vector<400xf32> to vector<400x1xf32>
    %div3A_39 = arith.constant 1.280000e+02 : f32
    %div3A_40 = vector.broadcast %div3A_39 : f32 to vector<400x1xf32>
    %div3A_41 = arith.divf %broadcast_in_dim3A_38, %div3A_40 : vector<400x1xf32>
    %add3A_42 = arith.constant 9.99999974E-6 : f32
    %add3A_43 = vector.broadcast %add3A_42 : f32 to vector<400x1xf32>
    %add3A_44 = arith.addf %div3A_41, %add3A_43 : vector<400x1xf32>
    %rsqrt3A = math.rsqrt %add3A_44 : vector<400x1xf32>
    %mul3A_45 = vector.broadcast %rsqrt3A : vector<400x1xf32> to vector<400x128xf32>
    %mul3A_46 = arith.mulf %sub3A_35, %mul3A_45 : vector<400x128xf32>
    %mul3A_47 = vector.broadcast %get3A_27 : vector<1x128xf32> to vector<400x128xf32>
    %mul3A_48 = arith.mulf %mul3A_46, %mul3A_47 : vector<400x128xf32>
    %add3A_49 = vector.broadcast %get3A_30 : vector<1x128xf32> to vector<400x128xf32>
    %add3A_50 = arith.addf %mul3A_48, %add3A_49 : vector<400x128xf32>
    %get3A_51 = arith.constant 0 : index
    %get3A_52 = arith.constant 0 : index
    %get3A_53 = vector.load %arg7[%get3A_51, %get3A_52] : memref<128x512xf32, #tpu.memory_space<vmem>>, vector<128x512xf32>
    %dot_general3A = arith.constant dense<0.000000e+00> : vector<400x512xf32>
    %dot_general3A_54 = tpu.matmul %add3A_50, %get3A_53, %dot_general3A {dimension_numbers = #tpu.dot_dimension_numbers<[1], [0], [0], [1], [0, 0, 1, 1], [], []>, transpose_lhs_hint = false} : vector<400x128xf32>, vector<128x512xf32>, vector<400x512xf32> -> vector<400x512xf32>
    %get3A_55 = arith.constant 0 : index
    %get3A_56 = arith.constant 0 : index
    %get3A_57 = vector.load %arg8[%get3A_55, %get3A_56] : memref<1x512xf32, #tpu.memory_space<vmem>>, vector<1x512xf32>
    %add3A_58 = vector.broadcast %get3A_57 : vector<1x512xf32> to vector<400x512xf32>
    %add3A_59 = arith.addf %dot_general3A_54, %add3A_58 : vector<400x512xf32>
    %max3A = arith.constant 0.000000e+00 : f32
    %max3A_60 = vector.broadcast %max3A : f32 to vector<400x512xf32>
    %max3A_61 = arith.maximumf %add3A_59, %max3A_60 : vector<400x512xf32>
    %get3A_62 = arith.constant 0 : index
    %get3A_63 = arith.constant 0 : index
    %get3A_64 = vector.load %arg9[%get3A_62, %get3A_63] : memref<512x128xf32, #tpu.memory_space<vmem>>, vector<512x128xf32>
    %dot_general3A_65 = arith.constant dense<0.000000e+00> : vector<400x128xf32>
    %dot_general3A_66 = tpu.matmul %max3A_61, %get3A_64, %dot_general3A_65 {dimension_numbers = #tpu.dot_dimension_numbers<[1], [0], [0], [1], [0, 0, 1, 1], [], []>, transpose_lhs_hint = false} : vector<400x512xf32>, vector<512x128xf32>, vector<400x128xf32> -> vector<400x128xf32>
    %get3A_67 = arith.constant 0 : index
    %get3A_68 = arith.constant 0 : index
    %get3A_69 = vector.load %arg10[%get3A_67, %get3A_68] : memref<1x128xf32, #tpu.memory_space<vmem>>, vector<1x128xf32>
    %add3A_70 = vector.broadcast %get3A_69 : vector<1x128xf32> to vector<400x128xf32>
    %add3A_71 = arith.addf %dot_general3A_66, %add3A_70 : vector<400x128xf32>
    %add3A_72 = arith.addf %add3A_50, %add3A_71 : vector<400x128xf32>
    %get3A_73 = arith.constant 0 : index
    %get3A_74 = arith.constant 0 : index
    %get3A_75 = vector.load %arg13[%get3A_73, %get3A_74] : memref<1x128xf32, #tpu.memory_space<vmem>>, vector<1x128xf32>
    %get3A_76 = arith.constant 0 : index
    %get3A_77 = arith.constant 0 : index
    %get3A_78 = vector.load %arg14[%get3A_76, %get3A_77] : memref<1x128xf32, #tpu.memory_space<vmem>>, vector<1x128xf32>
    %reduce_sum3A_79 = arith.constant dense<0.000000e+00> : vector<400xf32>
    %reduce_sum3A_80 = vector.multi_reduction <add>, %add3A_72, %reduce_sum3A_79 [1] : vector<400x128xf32> to vector<400xf32>
    %broadcast_in_dim3A_81 = vector.shape_cast %reduce_sum3A_80 : vector<400xf32> to vector<400x1xf32>
    %div3A_82 = arith.constant 1.280000e+02 : f32
    %div3A_83 = vector.broadcast %div3A_82 : f32 to vector<400x1xf32>
    %div3A_84 = arith.divf %broadcast_in_dim3A_81, %div3A_83 : vector<400x1xf32>
    %sub3A_85 = vector.broadcast %div3A_84 : vector<400x1xf32> to vector<400x128xf32>
    %sub3A_86 = arith.subf %add3A_72, %sub3A_85 : vector<400x128xf32>
    %mul3A_87 = arith.mulf %sub3A_86, %sub3A_86 : vector<400x128xf32>
    %reduce_sum3A_88 = arith.constant dense<0.000000e+00> : vector<400xf32>
    %reduce_sum3A_89 = vector.multi_reduction <add>, %mul3A_87, %reduce_sum3A_88 [1] : vector<400x128xf32> to vector<400xf32>
    %broadcast_in_dim3A_90 = vector.shape_cast %reduce_sum3A_89 : vector<400xf32> to vector<400x1xf32>
    %div3A_91 = arith.constant 1.280000e+02 : f32
    %div3A_92 = vector.broadcast %div3A_91 : f32 to vector<400x1xf32>
    %div3A_93 = arith.divf %broadcast_in_dim3A_90, %div3A_92 : vector<400x1xf32>
    %add3A_94 = arith.constant 9.99999974E-6 : f32
    %add3A_95 = vector.broadcast %add3A_94 : f32 to vector<400x1xf32>
    %add3A_96 = arith.addf %div3A_93, %add3A_95 : vector<400x1xf32>
    %rsqrt3A_97 = math.rsqrt %add3A_96 : vector<400x1xf32>
    %mul3A_98 = vector.broadcast %rsqrt3A_97 : vector<400x1xf32> to vector<400x128xf32>
    %mul3A_99 = arith.mulf %sub3A_86, %mul3A_98 : vector<400x128xf32>
    %mul3A_100 = vector.broadcast %get3A_75 : vector<1x128xf32> to vector<400x128xf32>
    %mul3A_101 = arith.mulf %mul3A_99, %mul3A_100 : vector<400x128xf32>
    %add3A_102 = vector.broadcast %get3A_78 : vector<1x128xf32> to vector<400x128xf32>
    %add3A_103 = arith.addf %mul3A_101, %add3A_102 : vector<400x128xf32>
    %swap3A = arith.constant 0 : index
    %swap3A_104 = arith.constant 0 : index
    %swap3A_105 = vector.load %arg15[%swap3A, %swap3A_104] : memref<400x128xf32, #tpu.memory_space<vmem>>, vector<400x128xf32>
    tpu.vector_store %arg15[%swap3A, %swap3A_104], %add3A_103 {strides = array<i32>} : memref<400x128xf32, #tpu.memory_space<vmem>>, vector<400x128xf32>,
    return
  }
  func.func @transform_0(%arg0: i32) -> (i32, i32) {
    %c0_i32 = arith.constant 0 : i32
    %c0_i32_0 = arith.constant 0 : i32
    return %arg0, %c0_i32 : i32, i32
  }
  func.func @transform_1(%arg0: i32) -> (i32, i32) {
    %c0_i32 = arith.constant 0 : i32
    %c0_i32_0 = arith.constant 0 : i32
    return %arg0, %c0_i32 : i32, i32
  }
  func.func @transform_2(%arg0: i32) -> (i32, i32) {
    %c0_i32 = arith.constant 0 : i32
    %c0_i32_0 = arith.constant 0 : i32
    return %arg0, %c0_i32 : i32, i32
  }
  func.func @transform_3(%arg0: i32) -> (i32, i32) {
    %c0_i32 = arith.constant 0 : i32
    %c0_i32_0 = arith.constant 0 : i32
    return %arg0, %c0_i32 : i32, i32
  }
  func.func @transform_4(%arg0: i32) -> (i32, i32) {
    %c0_i32 = arith.constant 0 : i32
    %c0_i32_0 = arith.constant 0 : i32
    return %arg0, %c0_i32 : i32, i32
  }
  func.func @transform_5(%arg0: i32) -> (i32, i32) {
    %c0_i32 = arith.constant 0 : i32
    %c0_i32_0 = arith.constant 0 : i32
    %c0_i32_1 = arith.constant 0 : i32
    return %c0_i32, %c0_i32_0 : i32, i32
  }
  func.func @transform_6(%arg0: i32) -> (i32, i32) {
    %c0_i32 = arith.constant 0 : i32
    %c0_i32_0 = arith.constant 0 : i32
    %c0_i32_1 = arith.constant 0 : i32
    return %c0_i32, %c0_i32_0 : i32, i32
  }
  func.func @transform_7(%arg0: i32) -> (i32, i32) {
    %c0_i32 = arith.constant 0 : i32
    %c0_i32_0 = arith.constant 0 : i32
    %c0_i32_1 = arith.constant 0 : i32
    return %c0_i32, %c0_i32_0 : i32, i32
  }
  func.func @transform_8(%arg0: i32) -> (i32, i32) {
    %c0_i32 = arith.constant 0 : i32
    %c0_i32_0 = arith.constant 0 : i32
    %c0_i32_1 = arith.constant 0 : i32
    return %c0_i32, %c0_i32_0 : i32, i32
  }
  func.func @transform_9(%arg0: i32) -> (i32, i32) {
    %c0_i32 = arith.constant 0 : i32
    %c0_i32_0 = arith.constant 0 : i32
    %c0_i32_1 = arith.constant 0 : i32
    return %c0_i32, %c0_i32_0 : i32, i32
  }
  func.func @transform_10(%arg0: i32) -> (i32, i32) {
    %c0_i32 = arith.constant 0 : i32
    %c0_i32_0 = arith.constant 0 : i32
    %c0_i32_1 = arith.constant 0 : i32
    return %c0_i32, %c0_i32_0 : i32, i32
  }
  func.func @transform_11(%arg0: i32) -> (i32, i32) {
    %c0_i32 = arith.constant 0 : i32
    %c0_i32_0 = arith.constant 0 : i32
    %c0_i32_1 = arith.constant 0 : i32
    return %c0_i32, %c0_i32_0 : i32, i32
  }
  func.func @transform_12(%arg0: i32) -> (i32, i32) {
    %c0_i32 = arith.constant 0 : i32
    %c0_i32_0 = arith.constant 0 : i32
    %c0_i32_1 = arith.constant 0 : i32
    return %c0_i32, %c0_i32_0 : i32, i32
  }
  func.func @transform_13(%arg0: i32) -> (i32, i32) {
    %c0_i32 = arith.constant 0 : i32
    %c0_i32_0 = arith.constant 0 : i32
    %c0_i32_1 = arith.constant 0 : i32
    return %c0_i32, %c0_i32_0 : i32, i32
  }
  func.func @transform_14(%arg0: i32) -> (i32, i32) {
    %c0_i32 = arith.constant 0 : i32
    %c0_i32_0 = arith.constant 0 : i32
    return %arg0, %c0_i32 : i32, i32
  }
}

</mosaic_0001>

<sc_bundles>
// kernel: kernel.6.cloned.1.call-start
scs
__scs_entry_jumppad:
0x0: {  	(pc) =	sbr.rel $0x88, $3  }
0x1: {  	(tag) =	ssettag $0x0;
	lr =	simm.s32 $0x1  }
0x2: {  	[smem:$0x3F90] =	sst lr;
	_ =	strace $0xD0000000  }
0x3: {  	_ = 	snop  }
0x4: {  	_ = 	snop  }
0x5: {  	_ = 	snop  }
0x6: {  	_ = 	snop  }
0x7: {  	_ = 	snop  }
__scs_overlays_trampoline_lowered:
0x8: {  	[smem:$0x3F9F] =	sst s0  }
0x9: {  	[smem:$0x3FA0] =	sst s1  }
0xa: {  	[smem:$0x3FA1] =	sst s2  }
0xb: {  	[smem:$0x3FA2] =	sst s3  }
0xc: {  	[smem:$0x3FA3] =	sst s4  }
0xd: {  	[smem:$0x3FA4] =	sst s5  }
0xe: {  	[smem:$0x3FA5] =	sst s6  }
0xf: {  	[smem:$0x3FA6] =	sst s7  }
0x10: {  	[smem:$0x3FA7] =	sst s8  }
0x11: {  	[smem:$0x3FA8] =	sst s9;
	s0 =	simm.s32 @!p0 $0x0  }
0x12: {  	s1 =	sld [smem:$0x3F8E];
	s0 =	simm.s32 @p0 $0x1  }
0x13: {  	[smem:$0x3FA9] =	sst s0;
	s0 =	simm.s32 @!p1 $0x0  }
0x14: {  	s2 =	sld [smem:$0x3F8D];
	s0 =	simm.s32 @p1 $0x1  }
0x15: {  	[smem:$0x3FAA] =	sst s0;
	s0 =	simm.s32 @!p2 $0x0  }
0x16: {  	s3 =	sld [smem:$0x3FDB];
	s0 =	simm.s32 @p2 $0x1  }
0x17: {  	s4 =	simm.s32 $0x1BF5;
	[smem:$0x3FAC] =	sst s0  }
0x18: {  	s0 =	sld [smem:$0x3F8F];
	_ =	swait.ge [sflag:s4], $0x0  }
0x19: {  	s7 =	sld [smem:$0x3F90]  }
0x1a: {  	s8 =	sadd.s32 $0xFFFFE003, lr  }
0x1b: {  	s9 =	sadd.s32 $0xFFFFFEF7, lr;
	s5 =	simm.s32 $0xFFFFFFFF;
	p2 =	slt.u32 s8, $0xFFFFF086  }
0x1c: {  	p1 =	slt.u32 s9, $0xF7A;
	s5 =	simm.s32 @!p2 $0x0  }
0x1d: {  	s5 =	simm.s32 @p1 $0x1;
	p0 =	seq.s32 s7, s2  }
0x1e: {  	s7 =	smul.u32 @!p0 $0xF7A, s2;
	p2 =	seq.s32 @!p0 s5, $0x0  }
0x1f: {  	s9 =	smul.u32 $0xF7A, s1;
	s8 =	simm.s32 @!p0 $0x1BF5;
	p2 =	por !p2, p0  }
0x20: {  	[sflag:s8] =	ssyncset.s32 @!p0 $0xFFFFF086;
	s6 =	sadd.s32 @!p0 s3, s7;
	s7 =	simm.s32 @!p0 $0x108  }
0x21: {  	s3 =	sadd.s32 s3, s9;
	s6 =	sadd.s32 @!p0 $0x88, s6;
	s7 =	simm.s32 @p2 $0x1082  }
0x22: {  	[simem:s7], [sflag:s8] =	dma.local @!p0 [hbm:s6], $0xF7A  }
0x23: {  	s9 =	sor.u32 $0xD0000000, s2;
	s6 =	simm.s32 $0x108;
	_ =	swait.ge @!p0 [sflag:s8], $0x0  }
0x24: {  	s3 =	sadd.s32 $0x88, s3;
	s6 =	simm.s32 @!p1 $0x1082;
	[sflag:s4] =	ssyncset.s32 $0xFFFFF086  }
0x25: {  	[simem:s6], [sflag:s4] =	dma.local [hbm:s3], $0xF7A  }
0x26: {  	[smem:$0x3F90] =	sst s1;
	(tag) =	ssettag s2;
	_ =	strace s9  }
0x27: {  	s1 =	sld [smem:$0x3FA0]  }
0x28: {  	s2 =	sld [smem:$0x3FA1]  }
0x29: {  	s4 =	sld [smem:$0x3FA3]  }
0x2a: {  	p0 =	seq.s32 s5, $0x0;
	s5 =	sld [smem:$0x3FA4]  }
0x2b: {  	s6 =	sld [smem:$0x3FA5]  }
0x2c: {  	s7 =	sld [smem:$0x3FA6]  }
0x2d: {  	s3 =	simm.s32 $0x108;
	s8 =	sld [smem:$0x3FA7]  }
0x2e: {  	s3 =	simm.s32 @!p0 $0x1082;
	s9 =	sld [smem:$0x3FA8]  }
0x2f: {  	lr =	sadd.s32 s0, s3;
	s0 =	sld [smem:$0x3F9F]  }
0x30: {  	s3 =	sld [smem:$0x3FA2]  }
0x31: {  	[smem:$0x3FAB] =	sst s10  }
0x32: {  	s10 =	sld [smem:$0x3FA9];
	_ =	sdelay $0x3  }
0x33: {  	p0 =	seq.s32 s10, $0x1;
	s10 =	sld [smem:$0x3FAB];
	_ =	sdelay $0x3  }
0x34: {  	[smem:$0x3FAB] =	sst s10  }
0x35: {  	s10 =	sld [smem:$0x3FAA];
	_ =	sdelay $0x3  }
0x36: {  	p1 =	seq.s32 s10, $0x1;
	s10 =	sld [smem:$0x3FAB];
	_ =	sdelay $0x3  }
0x37: {  	[smem:$0x3FAB] =	sst s10  }
0x38: {  	s10 =	sld [smem:$0x3FAC]  }
0x39: {  	_ = 	snop;
	(pc) =	sbr.ind lr, $3  }
0x3a: {  	_ = 	snop  }
0x3b: {  	_ = 	snop  }
0x3c: {  	p2 =	seq.s32 s10, $0x1;
	s10 =	sld [smem:$0x3FAB]  }
0x3d: {  	_ =	shalt  }
0x3e: {  	_ =	shalt  }
0x3f: {  	_ =	shalt  }
0x40: {  	_ =	shalt  }
0x41: {  	_ =	shalt  }
0x42: {  	_ =	shalt  }
0x43: {  	_ =	shalt  }
0x44: {  	_ =	shalt  }
0x45: {  	_ =	shalt  }
0x46: {  	_ =	shalt  }
0x47: {  	_ =	shalt  }
0x48: {  	_ =	shalt  }
0x49: {  	_ =	shalt  }
0x4a: {  	_ =	shalt  }
0x4b: {  	_ =	shalt  }
0x4c: {  	_ =	shalt  }
0x4d: {  	_ =	shalt  }
0x4e: {  	_ =	shalt  }
0x4f: {  	_ =	shalt  }
0x50: {  	_ =	shalt  }
0x51: {  	_ =	shalt  }
0x52: {  	_ =	shalt  }
0x53: {  	_ =	shalt  }
0x54: {  	_ =	shalt  }
0x55: {  	_ =	shalt  }
0x56: {  	_ =	shalt  }
0x57: {  	_ =	shalt  }
0x58: {  	_ =	shalt  }
0x59: {  	_ =	shalt  }
0x5a: {  	_ =	shalt  }
0x5b: {  	_ =	shalt  }
0x5c: {  	_ =	shalt  }
0x5d: {  	_ =	shalt  }
0x5e: {  	_ =	shalt  }
0x5f: {  	_ =	shalt  }
0x60: {  	_ =	shalt  }
0x61: {  	_ =	shalt  }
0x62: {  	_ =	shalt  }
0x63: {  	_ =	shalt  }
0x64: {  	_ =	shalt  }
0x65: {  	_ =	shalt  }
0x66: {  	_ =	shalt  }
0x67: {  	_ =	shalt  }
0x68: {  	_ =	shalt  }
0x69: {  	_ =	shalt  }
0x6a: {  	_ =	shalt  }
0x6b: {  	_ =	shalt  }
0x6c: {  	_ =	shalt  }
0x6d: {  	_ =	shalt  }
0x6e: {  	_ =	shalt  }
0x6f: {  	_ =	shalt  }
0x70: {  	_ =	shalt  }
0x71: {  	_ =	shalt  }
0x72: {  	_ =	shalt  }
0x73: {  	_ =	shalt  }
0x74: {  	_ =	shalt  }
0x75: {  	_ =	shalt  }
0x76: {  	_ =	shalt  }
0x77: {  	_ =	shalt  }
0x78: {  	_ =	shalt  }
0x79: {  	_ =	shalt  }
0x7a: {  	_ =	shalt  }
0x7b: {  	_ =	shalt  }
0x7c: {  	_ =	shalt  }
0x7d: {  	_ =	shalt  }
0x7e: {  	_ =	shalt  }
0x7f: {  	_ =	shalt  }
0x80: {  	_ =	shalt  }
0x81: {  	_ =	shalt  }
0x82: {  	_ =	shalt  }
0x83: {  	_ =	shalt  }
0x84: {  	_ =	shalt  }
0x85: {  	_ =	shalt  }
0x86: {  	_ =	shalt  }
0x87: {  	_ =	shalt  }
.Lfunc_end0:
.L_simem_size_0:
called_computation_lowered:
.L_overlay_start_0:
0x88: {  	s2 =	sld [smem:$0x3FD9]  }
0x89: {  	s3 =	sld [smem:$0x3FFE];
	_ =	sdelay $0x1  }
0x8a: {  	s1 =	srdreg.scid  }
0x8b: {  	s0 =	sand.u32 $0x1, s1  }
0x8c: {  	s17 =	sshll.u32 s0, $0xA;
	s2 =	sadd.s32 s3, s2  }
0x8d: {  	s2 =	sadd.s32 s2, s17  }
0x8e: {  	[smem:$0x3FB7] =	sst s2  }
0x8f: {  	_ = 	snop  }
0x90: {  	s2 =	sld [smem:$0x3FD0];
	(tm) =	ssettm $0x1  }
0x91: {  	s18 =	sld [smem:$0x3FFB];
	_ =	sdelay $0x3  }
0x92: {  	_ =	strace s18  }
0x93: {  	s3 =	sld [smem:$0x3FFC];
	_ =	sdelay $0x3  }
0x94: {  	_ =	strace s3  }
0x95: {  	s3 =	sld [smem:$0x3FFD];
	_ =	sdelay $0x3  }
0x96: {  	_ =	strace s3  }
0x97: {  	_ =	strace $0x8FFFFFFF  }
0x98: {  	s19 =	sld [smem:$0x3FDB];
	_ =	sdelay $0x1  }
0x99: {  	s4 =	simm.s32 $_scs_section_size  }
0x9a: {  	s5 =	simm.s32 $_size__tile_overlayer_lowered;
	s6 =	simm.s32 $_tile_overlayer_lowered  }
0x9b: {  	s22 =	simm.s32 $0x1BFF;
	s21 =	sshll.u32 s6, $0x1;
	s3 =	sadd.s32 s4, s19  }
0x9c: {  	s7 =	simm.s32 $0x0;
	s20 =	sshll.u32 s5, $0x1;
	s5 =	sadd.s32 s21, s3  }
0x9d: {  	[timem:s7], [sflag:s22] =	dma.local [hbm:s5], s20  }
0x9e: {  	_ =	swait.ge [sflag:s22], s20  }
0x9f: {  	s4 =	ssub.s32 $0x0, s20;
	[sflag:s22] =	ssyncset.done $0x0  }
0xa0: {  	[sflag:s22] =	ssyncadd.s32 s4;
	_ =	sdelay $0x1  }
0xa1: {  	s23 =	simm.s32 $0x1B8B  }
0xa2: {  	_ =	swait.ge [sflag:s23], $0x1  }
0xa3: {  	[sflag:s23] =	ssyncset.done $0x0  }
0xa4: {  	s25 =	simm.s32 $0x1B8E;
	s24 =	sld [smem:$0x3FFE];
	[sflag:s23] =	ssyncadd.s32 $0xFFFFFFFF  }
0xa5: {  	s26 =	simm.s32 $execute0_lowered;
	[smem:$0x3FD2] =	sst s25  }
0xa6: {  	s5 =	sshll.u32 s26, $0x1;
	_ =	strace $0x80000046;
	[dreg:$0x1] =	wrdreg $0xFFFFFFFF  }
0xa7: {  	s28 =	simm.s32 $_size_execute0_lowered;
	s3 =	sadd.s32 s3, s5;
	[dreg:$0x0] =	wrdreg $0x0  }
0xa8: {  	s5 =	sshll.u32 s28, $0x1;
	[dreg:$0x2] =	wrdreg s3  }
0xa9: {  	[dreg:$0x3] =	wrdreg s5  }
0xaa: {  	[dreg:$0x4] =	wrdreg $0xC0  }
0xab: {  	_ =	task [dreg:s7], $0x5FFFF  }
0xac: {  	[dreg:$0x1] =	wrdreg $0xFFFFFFFF  }
0xad: {  	[dreg:$0x0] =	wrdreg $0x60  }
0xae: {  	[dreg:$0x2] =	wrdreg s2  }
0xaf: {  	[dreg:$0x3] =	wrdreg s24  }
0xb0: {  	[dreg:$0x4] =	wrdreg $0xA6000  }
0xb1: {  	[dreg:$0x5] =	wrdreg $0xA3800  }
0xb2: {  	[dreg:$0x6] =	wrdreg $0x9  }
0xb3: {  	_ =	task.clear_ibuf [dreg:s7], $0x7FFFF;
	_ =	strace $0x90000046  }
0xb4: {  	s29 =	simm.s32 $0x9;
	_ =	strace $0x80000048  }
0xb5: {  	_ =	swait.ge [sflag:s29], $0x1  }
0xb6: {  	[sflag:s29] =	ssyncadd.s32 $0xFFFFFFFF  }
0xb7: {  	_ =	strace $0x90000048  }
0xb8: {  	_ =	sfence  }
0xb9: {  	s30 =	sld [smem:$0x0];
	_ =	sdelay $0x2  }
0xba: {  	s31 =	sshll.u32 s1, $0xD;
	s1 =	sshrl.u32 s1, $0x2  }
0xbb: {  	s3 =	sand.u32 $0x4000, s31;
	s1 =	sadd.s32 s1, s30  }
0xbc: {  	s0 =	sor.u32 s3, s0;
	s1 =	sshll.u32 s1, $0x11  }
0xbd: {  	s0 =	sor.u32 s1, s0  }
0xbe: {  	s0 =	sadd.s32 $0x8F2B, s0  }
0xbf: {  	[sflag:s0] =	ssyncadd.remote.s32 $0x1  }
0xc0: {  	_ =	sfence.sel $0xFFFF  }
0xc1: {  	[dreg:$0x0] =	wrdreg $0xFFFFFFFF;
	(pc) =	sbr.abs _section_cstart, $3  }
0xc2: {  	[dreg:$0x1] =	wrdreg $0xFFFFFFFF  }
0xc3: {  	_ =	task.clear_ibuf [dreg:s7], $0x2FFFF;
	_ =	strace $0x9FFFFFFF  }
0xc4: {  	(tm) =	ssettm $0x7FFFFFFF  }
0xc5: {  	_ =	shalt  }
tec
execute0_lowered:
.L_overlay_start_1:
0x0: {  	(tag) =	ssettag $0x1  }
0x1: {  	s1 =	rddreg [dreg:$0x0]  }
0x2: {  	s0 =	rddreg [dreg:$0x1]  }
0x3: {  	s2 =	rddreg [dreg:$0x2]  }
0x4: {  	s3 =	rddreg [dreg:$0x3];
	s4 =	simm.s32 $0x0  }
0x5: {  	s20 =	srdreg.scid;
	s16 =	stileid.u32;
	s28 =	simm.s32 $0x4F80  }
0x6: {  	s29 =	simm.s32 $0x5300;
	s30 =	simm.s32 $0x1;
	s31 =	simm.s32 $0x5180  }
0x7: {  	[smem:$0x7FF] =	sst s4;
	s5 =	sadd.s32 $0x22C00, s0;
	s6 =	sadd.s32 $0x22000, s0  }
0x8: {  	s19 =	sadd.s32 $0x22600, s0;
	s7 =	sadd.s32 $0x4800, s0;
	s21 =	sadd.s32 $0x2000, s0  }
0x9: {  	s8 =	sadd.s32 $0x5000, s0;
	_ =	strace $0x80000047;
	[dreg:$0x5] =	wrdreg s6  }
0xa: {  	s10 =	sadd.s32 $0x8AC00, s0;
	s12 =	smul.u32 $0x280, s16;
	[dreg:$0x6] =	wrdreg s19  }
0xb: {  	s13 =	smul.u32 $0x50000, s16;
	s22 =	sshll.u32 s16, $0x11;
	[dreg:$0x7] =	wrdreg s7  }
0xc: {  	s15 =	sshll.u32 s16, $0x6;
	s25 =	smul.u32 $0x2800, s16;
	[dreg:$0x8] =	wrdreg s21  }
0xd: {  	s6 =	sand.u32 $0x1, s20;
	s7 =	sadd.s32 $0x4A00, s0;
	s0 =	sadd.s32 $0x62C00, s0  }
0xe: {  	s19 =	simm.s32 $0x3;
	s21 =	simm.s32 $0x2780;
	s9 =	ssub.s32 $0x2, s6  }
0xf: {  	s14 =	sshll.u32 s6, $0x10;
	s18 =	sadd.s32 s12, s3;
	s13 =	sshrl.u32 s13, $0x2  }
0x10: {  	p0 =	seq.s32 s6, $0x1;
	s12 =	sshrl.u32 s12, $0x3;
	s11 =	sshrl.u32 s9, $0x1  }
0x11: {  	s14 =	sor.u32 s14, s22;
	s20 =	sadd.s32 s13, s2;
	s7 =	smov.u32 @p0 s8  }
0x12: {  	s10 =	smov.u32 @p0 s0;
	s18 =	sshrl.u32 s18, $0x3;
	s22 =	simm.s32 $0x4F00  }
0x13: {  	s0 =	simm.s32 $0x2;
	s9 =	ssub.s32 s9, s11;
	s11 =	sor.u32 $0x1C03, s15  }
0x14: {  	s23 =	sshrl.u32 s14, $0x3;
	s13 =	sor.u32 $0x200, s14;
	s14 =	sor.u32 $0x400, s14  }
0x15: {  	s16 =	sadd.s32 s7, s12;
	s17 =	sadd.s32 s10, s25;
	s20 =	sshrl.u32 s20, $0x3  }
0x16: {  	s25 =	simm.s32 $0x5100;
	s10 =	simm.s32 $0x0;
	s24 =	sadd.s32 s5, s23  }
0x17: {  	s26 =	smax.u32 s9, $0x1;
	s23 =	simm.s32 $0x50;
	[dreg:$0x9] =	wrdreg s24  }
0x18: {  	[dreg:$0xa] =	wrdreg s26;
	s24 =	simm.s32 $0x5380;
	s26 =	simm.s32 $0x7B80  }
.LBB2_1:
0x19: {  	s6 =	rddreg [dreg:$0x7]  }
0x1a: {  	[spmem:s18], [sflag:s11] =	dma.local [hbm:s6], $0x50  }
0x1b: {  	_ =	swait.ge [sflag:s19], $0x50  }
0x1c: {  	[sflag:s19] =	ssyncset.done $0x0  }
0x1d: {  	s8 =	rddreg [dreg:$0x8];
	[sflag:s19] =	ssyncadd.s32 $0xFFFFFFB0  }
0x1e: {  	[spmem:s20], [sflag:s11] =	dma.local [hbm:s8], $0x2800  }
0x1f: {  	_ =	swait.ge [sflag:s19], $0x2800  }
0x20: {  	[sflag:s19] =	ssyncset.done $0x0  }
0x21: {  	s9 =	rddreg [dreg:$0x5];
	[sflag:s19] =	ssyncadd.s32 $0xFFFFD800  }
0x22: {  	[tilespmem:s4], [sflag:$0x3] =	stream.linear.gather [hbm4b:s9+s4], $0x2780, $0x38;
	[tilespmem:$0x1E600] =	vst v63  }
0x23: {  	_ =	swait.ge [sflag:s19], $0x2780  }
0x24: {  	[sflag:s19] =	ssyncset.done $0x0  }
0x25: {  	s12 =	rddreg [dreg:$0x6];
	[sflag:s19] =	ssyncadd.s32 $0xFFFFD880  }
0x26: {  	[tilespmem:s21], [sflag:$0x3] =	stream.linear.gather [hbm4b:s12+s4], $0x2780, $0x38;
	[tilespmem:$0x1E600] =	vst v63  }
0x27: {  	_ =	swait.ge [sflag:s19], $0x2780  }
0x28: {  	[sflag:s19] =	ssyncset.done $0x0  }
0x29: {  	s15 =	rddreg [dreg:$0x9];
	[sflag:s19] =	ssyncadd.s32 $0xFFFFD880  }
0x2a: {  	[tilespmem:s22], [sflag:$0x3] =	stream.linear.gather [hbm4b:s15+s4], $0x180, $0x38;
	[tilespmem:$0x1E600] =	vst v63  }
0x2b: {  	_ =	swait.ge [sflag:s19], $0x180  }
0x2c: {  	[sflag:s19] =	ssyncset.done $0x0  }
0x2d: {  	[sflag:s19] =	ssyncadd.s32 $0xFFFFFE80  }
0x2e: {  	[tilespmem:s24], [sflag:$0x1] =	stream.indirect.gather [hbm4b:s1+s23], $0x80, s22, s23, $0xb8;
	[tilespmem:$0x1E600] =	vst v63  }
0x2f: {  	s6 =	simm.s32 $0x0;
	[bflag:$0x0] =	sbarrier.arrive $0xFFFF  }
.LBB2_2:
0x30: {  	s7 =	sshll.u32 s6, $0xA  }
0x31: {  	s7 =	sadd.s32 s13, s7  }
0x32: {  	s7 =	sshrl.u32 s7, $0x3  }
0x33: {  	s9 =	simm.s32 $0x0;
	s8 =	sadd.s32 s5, s7  }
0x34: {  	[tilespmem:s25], [sflag:$0x3] =	stream.linear.gather [hbm4b:s8+s9], $0x180, $0x38;
	[tilespmem:$0x1E600] =	vst v63  }
0x35: {  	_ =	swait.ge [sflag:s19], $0x180  }
0x36: {  	[sflag:s19] =	ssyncset.done $0x0  }
0x37: {  	[sflag:s19] =	ssyncadd.s32 $0xFFFFFE80  }
0x38: {  	[tilespmem:s26], [sflag:$0x2] =	stream.indirect.gather [hbm4b:s1+s23], $0x80, s25, s23, $0xb8;
	[tilespmem:$0x1E600] =	vst v63  }
0x39: {  	v0 =	vld [tilespmem:$0x4F00]  }
0x3a: {  	v1 =	vld [tilespmem:$0x4F80];
	_ =	sdelay $0x6  }
0x3b: {  	v0 =	vld.idx.msk [tilespmem:v0+s9+$0x0], $0xffff  }
0x3c: {  	v1 =	vld.idx.msk [tilespmem:v1+s21+$0x0], $0xffff;
	_ =	sdelay $0x1  }
0x3d: {  	v2 =	vld [tilespmem:$0x5000];
	_ =	sdelay $0x2  }
0x3e: {  	v0 =	vadd.f32 v1, v0;
	_ =	sdelay $0x1  }
0x3f: {  	v0 =	vadd.f32 v0, v2;
	_ =	sdelay $0x1  }
0x40: {  	v1 =	vmul.f32 $2.000000030e-01, v0  }
0x41: {  	vm0 =	vgt.f32 v0, $0.0e+00  }
0x42: {  	v0 =	vsel vm0, v0, v1  }
0x43: {  	v0 =	vmul.f32 $1.442695020e+00, v0;
	_ =	sdelay $0x1  }
0x44: {  	(erf) = vpow2.f32 v0;
	_ =	sdelay $0x2  }
0x45: {  	v0 =	vld [tilespmem:$0x4F10]  }
0x46: {  	v1 =	vld [tilespmem:$0x4F90];
	_ =	sdelay $0x4  }
0x47: {  	v2 =	vpop (erf)  }
0x48: {  	[tilespmem:$0x5300] =	vst v2  }
0x49: {  	v0 =	vld.idx.msk [tilespmem:v0+s9+$0x0], $0xffff  }
0x4a: {  	v1 =	vld.idx.msk [tilespmem:v1+s21+$0x0], $0xffff;
	_ =	sdelay $0x1  }
0x4b: {  	v2 =	vld [tilespmem:$0x5010];
	_ =	sdelay $0x2  }
0x4c: {  	v0 =	vadd.f32 v1, v0;
	_ =	sdelay $0x1  }
0x4d: {  	v0 =	vadd.f32 v0, v2;
	_ =	sdelay $0x1  }
0x4e: {  	v1 =	vmul.f32 $2.000000030e-01, v0  }
0x4f: {  	vm12 =	vgt.f32 v0, $0.0e+00  }
0x50: {  	v0 =	vsel vm12, v0, v1  }
0x51: {  	v0 =	vmul.f32 $1.442695020e+00, v0;
	_ =	sdelay $0x1  }
0x52: {  	(erf) = vpow2.f32 v0;
	_ =	sdelay $0x2  }
0x53: {  	v0 =	vld [tilespmem:$0x4F20]  }
0x54: {  	v1 =	vld [tilespmem:$0x4FA0];
	_ =	sdelay $0x4  }
0x55: {  	v2 =	vpop (erf)  }
0x56: {  	[tilespmem:$0x5310] =	vst v2  }
0x57: {  	v0 =	vld.idx.msk [tilespmem:v0+s9+$0x0], $0xffff  }
0x58: {  	v1 =	vld.idx.msk [tilespmem:v1+s21+$0x0], $0xffff;
	_ =	sdelay $0x1  }
0x59: {  	v2 =	vld [tilespmem:$0x5020];
	_ =	sdelay $0x2  }
0x5a: {  	v0 =	vadd.f32 v1, v0;
	_ =	sdelay $0x1  }
0x5b: {  	v0 =	vadd.f32 v0, v2;
	_ =	sdelay $0x1  }
0x5c: {  	v1 =	vmul.f32 $2.000000030e-01, v0  }
0x5d: {  	vm13 =	vgt.f32 v0, $0.0e+00  }
0x5e: {  	v0 =	vsel vm13, v0, v1  }
0x5f: {  	v0 =	vmul.f32 $1.442695020e+00, v0;
	_ =	sdelay $0x1  }
0x60: {  	(erf) = vpow2.f32 v0;
	_ =	sdelay $0x2  }
0x61: {  	v0 =	vld [tilespmem:$0x4F30]  }
0x62: {  	v1 =	vld [tilespmem:$0x4FB0];
	_ =	sdelay $0x4  }
0x63: {  	v2 =	vpop (erf)  }
0x64: {  	[tilespmem:$0x5320] =	vst v2  }
0x65: {  	v0 =	vld.idx.msk [tilespmem:v0+s9+$0x0], $0xffff  }
0x66: {  	v1 =	vld.idx.msk [tilespmem:v1+s21+$0x0], $0xffff;
	_ =	sdelay $0x1  }
0x67: {  	v2 =	vld [tilespmem:$0x5030];
	_ =	sdelay $0x2  }
0x68: {  	v0 =	vadd.f32 v1, v0;
	_ =	sdelay $0x1  }
0x69: {  	v0 =	vadd.f32 v0, v2;
	_ =	sdelay $0x1  }
0x6a: {  	v1 =	vmul.f32 $2.000000030e-01, v0  }
0x6b: {  	vm14 =	vgt.f32 v0, $0.0e+00  }
0x6c: {  	v0 =	vsel vm14, v0, v1  }
0x6d: {  	v0 =	vmul.f32 $1.442695020e+00, v0;
	_ =	sdelay $0x1  }
0x6e: {  	(erf) = vpow2.f32 v0;
	_ =	sdelay $0x2  }
0x6f: {  	v0 =	vld [tilespmem:$0x4F40]  }
0x70: {  	v1 =	vld [tilespmem:$0x4FC0];
	_ =	sdelay $0x4  }
0x71: {  	v2 =	vpop (erf)  }
0x72: {  	[tilespmem:$0x5330] =	vst v2  }
0x73: {  	v0 =	vld.idx.msk [tilespmem:v0+s9+$0x0], $0xffff  }
0x74: {  	v1 =	vld.idx.msk [tilespmem:v1+s21+$0x0], $0xffff;
	_ =	sdelay $0x1  }
0x75: {  	v2 =	vld [tilespmem:$0x5040];
	_ =	sdelay $0x2  }
0x76: {  	v0 =	vadd.f32 v1, v0;
	_ =	sdelay $0x1  }
0x77: {  	v0 =	vadd.f32 v0, v2;
	_ =	sdelay $0x1  }
0x78: {  	v1 =	vmul.f32 $2.000000030e-01, v0  }
0x79: {  	vm15 =	vgt.f32 v0, $0.0e+00  }
0x7a: {  	v0 =	vsel vm15, v0, v1  }
0x7b: {  	v0 =	vmul.f32 $1.442695020e+00, v0;
	_ =	sdelay $0x1  }
0x7c: {  	(erf) = vpow2.f32 v0;
	_ =	sdelay $0x8  }
0x7d: {  	v0 =	vpop (erf)  }
0x7e: {  	s12 =	simm.s32 $0x2;
	[tilespmem:$0x5340] =	vst v0;
	v0 =	vmov s9  }
0x7f: {  	v1 =	vmov s12;
	[spmem:s3] =	stream.indirect.scatter.add.f32 [tilespmem:s29], [sflag:$0x3], $0x1, s28, s23, $0xb8;
	v0 =	vand.u32 $0xFFFFFFFC, v0;
	[tilespmem:$0x1E600] =	vst v63  }
0x80: {  	v1 =	vand.u32 $0xFFFFFFFE, v1;
	_ =	swait.ge [sflag:s19], $0x50;
	v0 =	vbroadcast v0, $0x0  }
0x81: {  	v1 =	vbroadcast v1, $0x0;
	[sflag:s19] =	ssyncset.done $0x0  }
0x82: {  	[sflag:s19] =	ssyncadd.s32 $0xFFFFFFB0  }
0x83: {  	_ =	swait.ge [sflag:s30], $0x2800  }
0x84: {  	[sflag:s30] =	ssyncset.done $0x0  }
0x85: {  	[sflag:s30] =	ssyncadd.s32 $0xFFFFD800  }
0x86: {  	v0 =	vld.idx.msk [tilespmem:v0+s29+$0x0], $0xffff  }
0x87: {  	s15 =	simm.s32 $0x1;
	s7 =	simm.s32 $0x5480;
	v1 =	vld.idx.msk [tilespmem:v1+s29+$0x0], $0xffff  }
0x88: {  	v2 =	vmov s15;
	v3 =	vld [tilespmem:s7+$0x70]  }
0x89: {  	v2 =	vand.u32 $0xFFFFFFFD, v2;
	v4 =	vld [tilespmem:s7+$0xFFFFFF00]  }
0x8a: {  	v2 =	vbroadcast v2, $0x0;
	v5 =	vld [tilespmem:s7+$0xFFFFFF10]  }
0x8b: {  	v6 =	vld [tilespmem:s7+$0xFFFFFF20]  }
0x8c: {  	v7 =	vld [tilespmem:s7+$0xFFFFFF30]  }
0x8d: {  	v8 =	vld [tilespmem:s7+$0xFFFFFF40]  }
0x8e: {  	v9 =	vld [tilespmem:s7+$0xFFFFFF50]  }
0x8f: {  	v10 =	vld [tilespmem:s7+$0xFFFFFF60];
	v4 =	vmul.f32 v4, v0  }
0x90: {  	v2 =	vld.idx.msk [tilespmem:v2+s29+$0x0], $0xffff;
	v3 =	vmul.f32 v3, v1  }
0x91: {  	v12 =	vld [tilespmem:s7+$0x40];
	[tilespmem:s7+$0xFFFFFF00] =	vst v4;
	v4 =	vmul.f32 v5, v0  }
0x92: {  	v5 =	vld [tilespmem:s7+$0xFFFFFF70];
	[tilespmem:s7+$0x70] =	vst v3;
	v3 =	vmul.f32 v6, v0  }
0x93: {  	v6 =	vld [tilespmem:s7+$0xFFFFFF80];
	[tilespmem:s7+$0xFFFFFF10] =	vst v4;
	v4 =	vmul.f32 v7, v0  }
0x94: {  	v7 =	vld [tilespmem:s7+$0xFFFFFF90];
	[tilespmem:s7+$0xFFFFFF20] =	vst v3;
	v3 =	vmul.f32 v8, v0  }
0x95: {  	v8 =	vld [tilespmem:s7+$0xFFFFFFA0];
	[tilespmem:s7+$0xFFFFFF30] =	vst v4;
	v4 =	vmul.f32 v9, v0  }
0x96: {  	v9 =	vld [tilespmem:s7+$0xFFFFFFB0];
	[tilespmem:s7+$0xFFFFFF40] =	vst v3;
	v3 =	vmul.f32 v10, v0  }
0x97: {  	v10 =	vld [tilespmem:s7+$0xFFFFFFC0];
	v5 =	vmul.f32 v5, v0;
	[tilespmem:s7+$0xFFFFFF50] =	vst v4  }
0x98: {  	v4 =	vmul.f32 v6, v2;
	v6 =	vld [tilespmem:s7+$0xFFFFFFD0];
	[tilespmem:s7+$0xFFFFFF60] =	vst v3  }
0x99: {  	s9 =	simm.s32 $0x3;
	v3 =	vld [tilespmem:s7+$0xFFFFFFE0];
	v7 =	vmul.f32 v7, v2;
	[tilespmem:s7+$0xFFFFFF70] =	vst v5  }
0x9a: {  	v11 =	vmov s9;
	v5 =	vld [tilespmem:s7+$0xFFFFFFF0];
	[tilespmem:s7+$0xFFFFFF80] =	vst v4;
	v4 =	vmul.f32 v8, v2  }
0x9b: {  	v8 =	vld [tilespmem:s7+$0x0];
	[tilespmem:s7+$0xFFFFFF90] =	vst v7;
	v7 =	vmul.f32 v9, v2  }
0x9c: {  	v9 =	vld [tilespmem:s7+$0x10];
	[tilespmem:s7+$0xFFFFFFA0] =	vst v4;
	v4 =	vmul.f32 v10, v2  }
0x9d: {  	[tilespmem:s7+$0xFFFFFFB0] =	vst v7;
	v6 =	vmul.f32 v6, v2;
	v7 =	vld [tilespmem:s7+$0x20]  }
0x9e: {  	v10 =	vld [tilespmem:s7+$0x30];
	v3 =	vmul.f32 v3, v2;
	[tilespmem:s7+$0xFFFFFFC0] =	vst v4  }
0x9f: {  	v0 =	vld.idx.msk [tilespmem:v11+s29+$0x0], $0xffff;
	v2 =	vmul.f32 v5, v2;
	[tilespmem:s7+$0xFFFFFFD0] =	vst v6  }
0xa0: {  	[tilespmem:s7+$0xFFFFFFE0] =	vst v3;
	v4 =	vmul.f32 v8, v1;
	v3 =	vld [tilespmem:s7+$0x50]  }
0xa1: {  	s12 =	simm.s32 $0x4;
	[tilespmem:s7+$0xFFFFFFF0] =	vst v2;
	v5 =	vmul.f32 v9, v1;
	v2 =	vld [tilespmem:s7+$0x60]  }
0xa2: {  	s15 =	simm.s32 $0x7;
	v6 =	vmov s12;
	[tilespmem:s7+$0x0] =	vst v4;
	v8 =	vmul.f32 v7, v1;
	v7 =	vld [tilespmem:s7+$0x80]  }
0xa3: {  	s9 =	simm.s32 $0x5;
	v11 =	vand.u32 $0xFFFFFFFC, v6;
	v6 =	vld [tilespmem:s7+$0x90];
	v4 =	vmov s15;
	v9 =	vmul.f32 v10, v1;
	[tilespmem:s7+$0x10] =	vst v5  }
0xa4: {  	s8 =	simm.s32 $0x5480;
	s12 =	simm.s32 $0x6;
	v10 =	vmul.f32 v12, v1;
	v5 =	vbroadcast v11, $0x0;
	v11 =	vmov s9;
	s9 =	simm.s32 $0x8;
	[tilespmem:s7+$0x20] =	vst v8;
	v8 =	vld [tilespmem:s7+$0xA0]  }
.LBB2_3:
0xa5: {  	p0 =	slt.u32 s9, $0x4C;
	v11 =	vand.u32 $0xFFFFFFFD, v11;
	v12 =	vmov s12;
	[tilespmem:s7+$0x30] =	vst v9;
	v3 =	vmul.f32 v3, v1;
	v9 =	vld [tilespmem:s7+$0xB0]  }
0xa6: {  	v11 =	vbroadcast v11, $0x0;
	v12 =	vand.u32 $0xFFFFFFFE, v12;
	[tilespmem:s7+$0x40] =	vst v10;
	v1 =	vmul.f32 v2, v1;
	v2 =	vld [tilespmem:s7+$0xC0]  }
0xa7: {  	v10 =	vbroadcast v12, $0x0;
	[tilespmem:s7+$0x50] =	vst v3;
	v3 =	vmul.f32 v7, v0;
	v7 =	vld [tilespmem:s7+$0xD0]  }
0xa8: {  	[tilespmem:s7+$0x60] =	vst v1;
	v1 =	vmul.f32 v6, v0;
	v6 =	vld [tilespmem:s7+$0xE0]  }
0xa9: {  	[tilespmem:s7+$0x80] =	vst v3;
	v3 =	vmul.f32 v8, v0;
	v8 =	vld [tilespmem:s7+$0xF0]  }
0xaa: {  	v4 =	vld.idx.msk [tilespmem:v4+s29+$0x0], $0xffff;
	[tilespmem:s7+$0x90] =	vst v1;
	v1 =	vmul.f32 v9, v0  }
0xab: {  	v5 =	vld.idx.msk [tilespmem:v5+s29+$0x0], $0xffff;
	[tilespmem:s7+$0xA0] =	vst v3;
	v2 =	vmul.f32 v2, v0  }
0xac: {  	v3 =	vld.idx.msk [tilespmem:v11+s29+$0x0], $0xffff;
	[tilespmem:s7+$0xB0] =	vst v1;
	v7 =	vmul.f32 v7, v0  }
0xad: {  	s7 =	sadd.s32 $0x200, s7;
	v1 =	vld.idx.msk [tilespmem:v10+s29+$0x0], $0xffff;
	[tilespmem:s8+$0xC0] =	vst v2;
	v2 =	vmul.f32 v6, v0  }
0xae: {  	v6 =	vld [tilespmem:s7+$0x70];
	[tilespmem:s8+$0xD0] =	vst v7;
	v8 =	vmul.f32 v8, v0  }
0xaf: {  	v7 =	vld [tilespmem:s7+$0xFFFFFF00];
	[tilespmem:s8+$0xE0] =	vst v2  }
0xb0: {  	v0 =	vmov v4;
	v2 =	vld [tilespmem:s7+$0xFFFFFF10];
	[tilespmem:s8+$0xF0] =	vst v8;
	s8 =	smov.u32 s7  }
0xb1: {  	v4 =	vld [tilespmem:s7+$0xFFFFFF20]  }
0xb2: {  	v8 =	vld [tilespmem:s7+$0xFFFFFF30]  }
0xb3: {  	v9 =	vld [tilespmem:s7+$0xFFFFFF40];
	v6 =	vmul.f32 v6, v1  }
0xb4: {  	v7 =	vmul.f32 v7, v5;
	v10 =	vld [tilespmem:s7+$0xFFFFFF50]  }
0xb5: {  	v2 =	vmul.f32 v2, v5;
	v11 =	vld [tilespmem:s7+$0xFFFFFF60];
	[tilespmem:s7+$0x70] =	vst v6  }
0xb6: {  	[tilespmem:s7+$0xFFFFFF00] =	vst v7;
	v4 =	vmul.f32 v4, v5;
	v6 =	vld [tilespmem:s7+$0xFFFFFF70]  }
0xb7: {  	[tilespmem:s7+$0xFFFFFF10] =	vst v2;
	v2 =	vmul.f32 v8, v5;
	v7 =	vld [tilespmem:s7+$0xFFFFFF80]  }
0xb8: {  	[tilespmem:s7+$0xFFFFFF20] =	vst v4;
	v4 =	vmul.f32 v9, v5;
	v8 =	vld [tilespmem:s7+$0xFFFFFF90]  }
0xb9: {  	[tilespmem:s7+$0xFFFFFF30] =	vst v2;
	v2 =	vmul.f32 v10, v5;
	v9 =	vld [tilespmem:s7+$0xFFFFFFA0]  }
0xba: {  	[tilespmem:s7+$0xFFFFFF40] =	vst v4;
	v4 =	vmul.f32 v11, v5;
	v10 =	vld [tilespmem:s7+$0xFFFFFFB0]  }
0xbb: {  	[tilespmem:s7+$0xFFFFFF50] =	vst v2;
	v2 =	vmul.f32 v6, v5;
	v5 =	vld [tilespmem:s7+$0xFFFFFFC0]  }
0xbc: {  	[tilespmem:s7+$0xFFFFFF60] =	vst v4;
	v4 =	vmul.f32 v7, v3;
	v6 =	vld [tilespmem:s7+$0xFFFFFFD0]  }
0xbd: {  	[tilespmem:s7+$0xFFFFFF70] =	vst v2;
	v2 =	vmul.f32 v8, v3;
	v7 =	vld [tilespmem:s7+$0xFFFFFFE0]  }
0xbe: {  	[tilespmem:s7+$0xFFFFFF80] =	vst v4;
	v4 =	vmul.f32 v9, v3;
	v8 =	vld [tilespmem:s7+$0xFFFFFFF0]  }
0xbf: {  	[tilespmem:s7+$0xFFFFFF90] =	vst v2;
	v2 =	vmul.f32 v10, v3;
	v9 =	vld [tilespmem:s7+$0x0]  }
0xc0: {  	[tilespmem:s7+$0xFFFFFFA0] =	vst v4;
	v4 =	vmul.f32 v5, v3;
	v5 =	vld [tilespmem:s7+$0x10]  }
0xc1: {  	[tilespmem:s7+$0xFFFFFFB0] =	vst v2;
	v2 =	vmul.f32 v6, v3;
	v6 =	vld [tilespmem:s7+$0x20]  }
0xc2: {  	[tilespmem:s7+$0xFFFFFFC0] =	vst v4;
	v4 =	vmul.f32 v7, v3;
	v10 =	vld [tilespmem:s7+$0x30]  }
0xc3: {  	[tilespmem:s7+$0xFFFFFFD0] =	vst v2;
	v2 =	vmul.f32 v8, v3;
	v8 =	vld [tilespmem:s7+$0x40]  }
.Ltmp0:
0xc4: {  	[tilespmem:s7+$0xFFFFFFE0] =	vst v4;
	v4 =	vmul.f32 v9, v1;
	v3 =	vld [tilespmem:s7+$0x50];
	(pc) =	sbr.rel @p0 .LBB2_3-.Ltmp0, $4  }
0xc5: {  	[tilespmem:s7+$0xFFFFFFF0] =	vst v2;
	v5 =	vmul.f32 v5, v1;
	v2 =	vld [tilespmem:s7+$0x60]  }
0xc6: {  	s12 =	sadd.s32 $0x3, s9;
	v9 =	vmov s9;
	[tilespmem:s7+$0x0] =	vst v4;
	v12 =	vmul.f32 v6, v1;
	v7 =	vld [tilespmem:s7+$0x80]  }
0xc7: {  	s15 =	sadd.s32 $0x1, s9;
	v11 =	vand.u32 $0xFFFFFFFC, v9;
	v4 =	vmov s12;
	[tilespmem:s7+$0x10] =	vst v5;
	v9 =	vmul.f32 v10, v1;
	v6 =	vld [tilespmem:s7+$0x90]  }
0xc8: {  	s12 =	sadd.s32 $0x2, s9;
	s9 =	sadd.s32 $0x4, s9;
	v5 =	vbroadcast v11, $0x0;
	v11 =	vmov s15;
	[tilespmem:s7+$0x20] =	vst v12;
	v10 =	vmul.f32 v8, v1;
	v8 =	vld [tilespmem:s7+$0xA0]  }
0xc9: {  	v12 =	vld [tilespmem:s7+$0xB0]  }
0xca: {  	v14 =	vld [tilespmem:s7+$0xC0]  }
0xcb: {  	v13 =	vmov s12;
	v15 =	vld [tilespmem:s7+$0xD0]  }
0xcc: {  	v16 =	vld [tilespmem:s7+$0xE0];
	[tilespmem:s7+$0x30] =	vst v9;
	v3 =	vmul.f32 v3, v1;
	v13 =	vand.u32 $0xFFFFFFFE, v13  }
0xcd: {  	v11 =	vand.u32 $0xFFFFFFFD, v11;
	v4 =	vld.idx.msk [tilespmem:v4+s29+$0x0], $0xffff;
	[tilespmem:s7+$0x40] =	vst v10;
	v1 =	vmul.f32 v2, v1;
	v13 =	vbroadcast v13, $0x0  }
0xce: {  	s9 =	sadd.s32 $0x200, s7;
	v11 =	vbroadcast v11, $0x0;
	v2 =	vld.idx.msk [tilespmem:v5+s29+$0x0], $0xffff;
	v7 =	vmul.f32 v7, v0;
	[tilespmem:s7+$0x50] =	vst v3  }
0xcf: {  	v9 =	vld [tilespmem:s9+$0xFFFFFF00];
	v3 =	vmul.f32 v6, v0;
	[tilespmem:s7+$0x60] =	vst v1  }
0xd0: {  	[tilespmem:s7+$0x80] =	vst v7;
	v7 =	vld [tilespmem:s7+$0xF0];
	v1 =	vmul.f32 v8, v0  }
0xd1: {  	v10 =	vld [tilespmem:s9+$0xFFFFFF10];
	[tilespmem:s7+$0x90] =	vst v3;
	v3 =	vmul.f32 v12, v0  }
0xd2: {  	v8 =	vld [tilespmem:s9+$0x70];
	[tilespmem:s7+$0xA0] =	vst v1;
	v1 =	vmul.f32 v14, v0  }
0xd3: {  	[tilespmem:s7+$0xB0] =	vst v3;
	v3 =	vmul.f32 v15, v0;
	v6 =	vld.idx.msk [tilespmem:v13+s29+$0x0], $0xffff  }
0xd4: {  	v5 =	vld.idx.msk [tilespmem:v11+s29+$0x0], $0xffff;
	[tilespmem:s8+$0xC0] =	vst v1;
	v1 =	vmul.f32 v16, v0  }
0xd5: {  	v11 =	vld [tilespmem:s9+$0xFFFFFF20];
	[tilespmem:s8+$0xD0] =	vst v3;
	v0 =	vmul.f32 v7, v0  }
0xd6: {  	v3 =	vld [tilespmem:s9+$0xFFFFFF30];
	[tilespmem:s8+$0xE0] =	vst v1  }
0xd7: {  	v1 =	vld [tilespmem:s9+$0xFFFFFF40];
	[tilespmem:s8+$0xF0] =	vst v0;
	v0 =	vmul.f32 v9, v2  }
0xd8: {  	v7 =	vmul.f32 v8, v6;
	v8 =	vld [tilespmem:s9+$0xFFFFFF50]  }
0xd9: {  	v9 =	vmul.f32 v10, v2;
	v10 =	vld [tilespmem:s9+$0xFFFFFF60];
	[tilespmem:s9+$0xFFFFFF00] =	vst v0  }
0xda: {  	v0 =	vmul.f32 v11, v2;
	[tilespmem:s9+$0x70] =	vst v7;
	v7 =	vld [tilespmem:s9+$0xFFFFFF70]  }
0xdb: {  	[tilespmem:s9+$0xFFFFFF10] =	vst v9;
	v9 =	vld [tilespmem:s9+$0xFFFFFF80];
	v3 =	vmul.f32 v3, v2  }
0xdc: {  	[tilespmem:s9+$0xFFFFFF20] =	vst v0;
	v0 =	vmul.f32 v1, v2;
	v1 =	vld [tilespmem:s9+$0xFFFFFF90]  }
0xdd: {  	[tilespmem:s9+$0xFFFFFF30] =	vst v3;
	v3 =	vmul.f32 v8, v2;
	v8 =	vld [tilespmem:s9+$0xFFFFFFA0]  }
0xde: {  	[tilespmem:s9+$0xFFFFFF40] =	vst v0;
	v0 =	vmul.f32 v10, v2;
	v10 =	vld [tilespmem:s9+$0xFFFFFFB0]  }
0xdf: {  	[tilespmem:s9+$0xFFFFFF50] =	vst v3;
	v2 =	vmul.f32 v7, v2;
	v3 =	vld [tilespmem:s9+$0xFFFFFFC0]  }
0xe0: {  	[tilespmem:s9+$0xFFFFFF60] =	vst v0;
	v0 =	vmul.f32 v9, v5;
	v7 =	vld [tilespmem:s9+$0xFFFFFFD0]  }
0xe1: {  	v1 =	vmul.f32 v1, v5;
	[tilespmem:s9+$0xFFFFFF70] =	vst v2;
	v2 =	vld [tilespmem:s9+$0xFFFFFFE0]  }
0xe2: {  	[tilespmem:s9+$0xFFFFFF80] =	vst v0;
	v0 =	vmul.f32 v8, v5;
	v8 =	vld [tilespmem:s9+$0xFFFFFFF0]  }
0xe3: {  	v9 =	vld [tilespmem:s9+$0x0];
	[tilespmem:s9+$0xFFFFFF90] =	vst v1;
	v1 =	vmul.f32 v10, v5  }
0xe4: {  	[tilespmem:s9+$0xFFFFFFA0] =	vst v0;
	v0 =	vmul.f32 v3, v5;
	v3 =	vld [tilespmem:s9+$0x10]  }
0xe5: {  	[tilespmem:s9+$0xFFFFFFB0] =	vst v1;
	v1 =	vmul.f32 v7, v5;
	v7 =	vld [tilespmem:s9+$0x20]  }
0xe6: {  	[tilespmem:s9+$0xFFFFFFC0] =	vst v0;
	v0 =	vmul.f32 v2, v5;
	v2 =	vld [tilespmem:s9+$0x30]  }
0xe7: {  	[tilespmem:s9+$0xFFFFFFD0] =	vst v1;
	v1 =	vmul.f32 v8, v5;
	v5 =	vld [tilespmem:s9+$0x40]  }
0xe8: {  	v8 =	vld [tilespmem:s9+$0x50];
	[tilespmem:s9+$0xFFFFFFE0] =	vst v0;
	v0 =	vmul.f32 v9, v6  }
0xe9: {  	[tilespmem:s9+$0xFFFFFFF0] =	vst v1;
	v1 =	vmul.f32 v3, v6;
	v3 =	vld [tilespmem:s9+$0x60]  }
0xea: {  	[tilespmem:s9+$0x0] =	vst v0;
	v0 =	vmul.f32 v7, v6;
	v7 =	vld [tilespmem:s9+$0x80]  }
0xeb: {  	[tilespmem:s9+$0x10] =	vst v1;
	v1 =	vmul.f32 v2, v6;
	v2 =	vld [tilespmem:s9+$0x90]  }
0xec: {  	[tilespmem:s9+$0x20] =	vst v0;
	v0 =	vmul.f32 v5, v6;
	v5 =	vld [tilespmem:s9+$0xA0]  }
0xed: {  	[tilespmem:s9+$0x30] =	vst v1;
	v1 =	vmul.f32 v8, v6;
	v8 =	vld [tilespmem:s9+$0xB0]  }
0xee: {  	[tilespmem:s9+$0x40] =	vst v0;
	v0 =	vmul.f32 v3, v6;
	v3 =	vld [tilespmem:s9+$0xC0]  }
0xef: {  	v6 =	vld [tilespmem:s9+$0xD0];
	[tilespmem:s9+$0x50] =	vst v1;
	v1 =	vmul.f32 v7, v4  }
0xf0: {  	[tilespmem:s9+$0x60] =	vst v0;
	v0 =	vmul.f32 v2, v4;
	v2 =	vld [tilespmem:s9+$0xE0]  }
0xf1: {  	[tilespmem:s9+$0x80] =	vst v1;
	v1 =	vmul.f32 v5, v4;
	v5 =	vld [tilespmem:s9+$0xF0]  }
0xf2: {  	[tilespmem:s9+$0x90] =	vst v0;
	v0 =	vmul.f32 v8, v4  }
0xf3: {  	[tilespmem:s9+$0xA0] =	vst v1;
	v1 =	vmul.f32 v3, v4  }
0xf4: {  	[tilespmem:s9+$0xB0] =	vst v0;
	v0 =	vmul.f32 v6, v4  }
0xf5: {  	[tilespmem:s9+$0xC0] =	vst v1;
	v1 =	vmul.f32 v2, v4  }
0xf6: {  	[tilespmem:s9+$0xD0] =	vst v0;
	v0 =	vmul.f32 v5, v4  }
0xf7: {  	[tilespmem:s9+$0xE0] =	vst v1  }
0xf8: {  	[tilespmem:s9+$0xF0] =	vst v0;
	s9 =	sshll.u32 s6, $0x1  }
0xf9: {  	[spmem:s2] =	stream.indirect.scatter.add.f32 [tilespmem:s24], [sflag:$0x3], $0x80, s28, s23, $0xb8;
	[tilespmem:$0x1E600] =	vst v63  }
0xfa: {  	s7 =	smin.u32 s9, $0x7D  }
0xfb: {  	s7 =	sshll.u32 s7, $0x9  }
0xfc: {  	_ =	swait.ge [sflag:s19], $0x2800;
	s7 =	sadd.s32 s7, s14  }
0xfd: {  	[sflag:s19] =	ssyncset.done $0x0;
	s7 =	sshrl.u32 s7, $0x3  }
0xfe: {  	s15 =	simm.s32 $0x0;
	[sflag:s19] =	ssyncadd.s32 $0xFFFFD800;
	s12 =	sadd.s32 s5, s7  }
0xff: {  	[tilespmem:s22], [sflag:$0x3] =	stream.linear.gather [hbm4b:s12+s15], $0x180, $0x38;
	[tilespmem:$0x1E600] =	vst v63  }
0x100: {  	_ =	swait.ge [sflag:s19], $0x180  }
0x101: {  	[sflag:s19] =	ssyncset.done $0x0  }
0x102: {  	[sflag:s19] =	ssyncadd.s32 $0xFFFFFE80  }
0x103: {  	[tilespmem:s24], [sflag:$0x1] =	stream.indirect.gather [hbm4b:s1+s23], $0x80, s22, s23, $0xb8;
	[tilespmem:$0x1E600] =	vst v63  }
0x104: {  	v0 =	vld [tilespmem:$0x5100]  }
0x105: {  	v1 =	vld [tilespmem:$0x5180];
	_ =	sdelay $0x6  }
0x106: {  	v0 =	vld.idx.msk [tilespmem:v0+s15+$0x0], $0xffff  }
0x107: {  	v1 =	vld.idx.msk [tilespmem:v1+s21+$0x0], $0xffff;
	_ =	sdelay $0x1  }
0x108: {  	v2 =	vld [tilespmem:$0x5200];
	_ =	sdelay $0x2  }
0x109: {  	v0 =	vadd.f32 v1, v0;
	_ =	sdelay $0x1  }
0x10a: {  	v0 =	vadd.f32 v0, v2;
	_ =	sdelay $0x1  }
0x10b: {  	v1 =	vmul.f32 $2.000000030e-01, v0  }
0x10c: {  	vm0 =	vgt.f32 v0, $0.0e+00  }
0x10d: {  	v0 =	vsel vm0, v0, v1  }
0x10e: {  	v0 =	vmul.f32 $1.442695020e+00, v0;
	_ =	sdelay $0x1  }
0x10f: {  	(erf) = vpow2.f32 v0;
	_ =	sdelay $0x2  }
0x110: {  	v0 =	vld [tilespmem:$0x5110]  }
0x111: {  	v1 =	vld [tilespmem:$0x5190];
	_ =	sdelay $0x4  }
0x112: {  	v2 =	vpop (erf)  }
0x113: {  	[tilespmem:$0x5300] =	vst v2  }
0x114: {  	v0 =	vld.idx.msk [tilespmem:v0+s15+$0x0], $0xffff  }
0x115: {  	v1 =	vld.idx.msk [tilespmem:v1+s21+$0x0], $0xffff;
	_ =	sdelay $0x1  }
0x116: {  	v2 =	vld [tilespmem:$0x5210];
	_ =	sdelay $0x2  }
0x117: {  	v0 =	vadd.f32 v1, v0;
	_ =	sdelay $0x1  }
0x118: {  	v0 =	vadd.f32 v0, v2;
	_ =	sdelay $0x1  }
0x119: {  	v1 =	vmul.f32 $2.000000030e-01, v0  }
0x11a: {  	vm12 =	vgt.f32 v0, $0.0e+00  }
0x11b: {  	v0 =	vsel vm12, v0, v1  }
0x11c: {  	v0 =	vmul.f32 $1.442695020e+00, v0;
	_ =	sdelay $0x1  }
0x11d: {  	(erf) = vpow2.f32 v0;
	_ =	sdelay $0x2  }
0x11e: {  	v0 =	vld [tilespmem:$0x5120]  }
0x11f: {  	v1 =	vld [tilespmem:$0x51A0];
	_ =	sdelay $0x4  }
0x120: {  	v2 =	vpop (erf)  }
0x121: {  	[tilespmem:$0x5310] =	vst v2  }
0x122: {  	v0 =	vld.idx.msk [tilespmem:v0+s15+$0x0], $0xffff  }
0x123: {  	v1 =	vld.idx.msk [tilespmem:v1+s21+$0x0], $0xffff;
	_ =	sdelay $0x1  }
0x124: {  	v2 =	vld [tilespmem:$0x5220];
	_ =	sdelay $0x2  }
0x125: {  	v0 =	vadd.f32 v1, v0;
	_ =	sdelay $0x1  }
0x126: {  	v0 =	vadd.f32 v0, v2;
	_ =	sdelay $0x1  }
0x127: {  	v1 =	vmul.f32 $2.000000030e-01, v0  }
0x128: {  	vm13 =	vgt.f32 v0, $0.0e+00  }
0x129: {  	v0 =	vsel vm13, v0, v1  }
0x12a: {  	v0 =	vmul.f32 $1.442695020e+00, v0;
	_ =	sdelay $0x1  }
0x12b: {  	(erf) = vpow2.f32 v0;
	_ =	sdelay $0x2  }
0x12c: {  	v0 =	vld [tilespmem:$0x5130]  }
0x12d: {  	v1 =	vld [tilespmem:$0x51B0];
	_ =	sdelay $0x4  }
0x12e: {  	v2 =	vpop (erf)  }
0x12f: {  	[tilespmem:$0x5320] =	vst v2  }
0x130: {  	v0 =	vld.idx.msk [tilespmem:v0+s15+$0x0], $0xffff  }
0x131: {  	v1 =	vld.idx.msk [tilespmem:v1+s21+$0x0], $0xffff;
	_ =	sdelay $0x1  }
0x132: {  	v2 =	vld [tilespmem:$0x5230];
	_ =	sdelay $0x2  }
0x133: {  	v0 =	vadd.f32 v1, v0;
	_ =	sdelay $0x1  }
0x134: {  	v0 =	vadd.f32 v0, v2;
	_ =	sdelay $0x1  }
0x135: {  	v1 =	vmul.f32 $2.000000030e-01, v0  }
0x136: {  	vm14 =	vgt.f32 v0, $0.0e+00  }
0x137: {  	v0 =	vsel vm14, v0, v1  }
0x138: {  	v0 =	vmul.f32 $1.442695020e+00, v0;
	_ =	sdelay $0x1  }
0x139: {  	(erf) = vpow2.f32 v0;
	_ =	sdelay $0x2  }
0x13a: {  	v0 =	vld [tilespmem:$0x5140]  }
0x13b: {  	v1 =	vld [tilespmem:$0x51C0];
	_ =	sdelay $0x4  }
0x13c: {  	v2 =	vpop (erf)  }
0x13d: {  	[tilespmem:$0x5330] =	vst v2  }
0x13e: {  	v0 =	vld.idx.msk [tilespmem:v0+s15+$0x0], $0xffff  }
0x13f: {  	v1 =	vld.idx.msk [tilespmem:v1+s21+$0x0], $0xffff;
	_ =	sdelay $0x1  }
0x140: {  	v2 =	vld [tilespmem:$0x5240];
	_ =	sdelay $0x2  }
0x141: {  	v0 =	vadd.f32 v1, v0;
	_ =	sdelay $0x1  }
0x142: {  	v0 =	vadd.f32 v0, v2;
	_ =	sdelay $0x1  }
0x143: {  	v1 =	vmul.f32 $2.000000030e-01, v0  }
0x144: {  	vm15 =	vgt.f32 v0, $0.0e+00  }
0x145: {  	v0 =	vsel vm15, v0, v1  }
0x146: {  	v0 =	vmul.f32 $1.442695020e+00, v0;
	_ =	sdelay $0x1  }
0x147: {  	(erf) = vpow2.f32 v0;
	_ =	sdelay $0x8  }
0x148: {  	v0 =	vpop (erf)  }
0x149: {  	s9 =	simm.s32 $0x2;
	[tilespmem:$0x5340] =	vst v0;
	v0 =	vmov s15  }
0x14a: {  	v1 =	vmov s9;
	[spmem:s3] =	stream.indirect.scatter.add.f32 [tilespmem:s29], [sflag:$0x3], $0x1, s31, s23, $0xb8;
	v0 =	vand.u32 $0xFFFFFFFC, v0;
	[tilespmem:$0x1E600] =	vst v63  }
0x14b: {  	v1 =	vand.u32 $0xFFFFFFFE, v1;
	_ =	swait.ge [sflag:s19], $0x50;
	v0 =	vbroadcast v0, $0x0  }
0x14c: {  	v1 =	vbroadcast v1, $0x0;
	[sflag:s19] =	ssyncset.done $0x0  }
0x14d: {  	[sflag:s19] =	ssyncadd.s32 $0xFFFFFFB0  }
0x14e: {  	_ =	swait.ge [sflag:s0], $0x2800  }
0x14f: {  	[sflag:s0] =	ssyncset.done $0x0  }
0x150: {  	[sflag:s0] =	ssyncadd.s32 $0xFFFFD800  }
0x151: {  	v0 =	vld.idx.msk [tilespmem:v0+s29+$0x0], $0xffff  }
0x152: {  	s7 =	simm.s32 $0x7C80;
	s12 =	simm.s32 $0x1;
	v1 =	vld.idx.msk [tilespmem:v1+s29+$0x0], $0xffff  }
0x153: {  	v2 =	vmov s12;
	v3 =	vld [tilespmem:s7+$0x70]  }
0x154: {  	v2 =	vand.u32 $0xFFFFFFFD, v2;
	v4 =	vld [tilespmem:s7+$0xFFFFFF00]  }
0x155: {  	v2 =	vbroadcast v2, $0x0;
	v5 =	vld [tilespmem:s7+$0xFFFFFF10]  }
0x156: {  	v6 =	vld [tilespmem:s7+$0xFFFFFF20]  }
0x157: {  	v7 =	vld [tilespmem:s7+$0xFFFFFF30]  }
0x158: {  	v8 =	vld [tilespmem:s7+$0xFFFFFF40]  }
0x159: {  	v9 =	vld [tilespmem:s7+$0xFFFFFF50]  }
0x15a: {  	v10 =	vld [tilespmem:s7+$0xFFFFFF60];
	v4 =	vmul.f32 v4, v0  }
0x15b: {  	v2 =	vld.idx.msk [tilespmem:v2+s29+$0x0], $0xffff;
	v3 =	vmul.f32 v3, v1  }
0x15c: {  	v63 =	vld [tilespmem:s7+$0x40];
	[tilespmem:s7+$0xFFFFFF00] =	vst v4;
	v4 =	vmul.f32 v5, v0  }
0x15d: {  	v5 =	vld [tilespmem:s7+$0xFFFFFF70];
	[tilespmem:s7+$0x70] =	vst v3;
	v3 =	vmul.f32 v6, v0  }
0x15e: {  	v6 =	vld [tilespmem:s7+$0xFFFFFF80];
	[tilespmem:s7+$0xFFFFFF10] =	vst v4;
	v4 =	vmul.f32 v7, v0  }
0x15f: {  	v7 =	vld [tilespmem:s7+$0xFFFFFF90];
	[tilespmem:s7+$0xFFFFFF20] =	vst v3;
	v3 =	vmul.f32 v8, v0  }
0x160: {  	v8 =	vld [tilespmem:s7+$0xFFFFFFA0];
	[tilespmem:s7+$0xFFFFFF30] =	vst v4;
	v4 =	vmul.f32 v9, v0  }
0x161: {  	v9 =	vld [tilespmem:s7+$0xFFFFFFB0];
	[tilespmem:s7+$0xFFFFFF40] =	vst v3;
	v3 =	vmul.f32 v10, v0  }
0x162: {  	v10 =	vld [tilespmem:s7+$0xFFFFFFC0];
	v5 =	vmul.f32 v5, v0;
	[tilespmem:s7+$0xFFFFFF50] =	vst v4  }
0x163: {  	v4 =	vmul.f32 v6, v2;
	v6 =	vld [tilespmem:s7+$0xFFFFFFD0];
	[tilespmem:s7+$0xFFFFFF60] =	vst v3  }
0x164: {  	s15 =	simm.s32 $0x3;
	v3 =	vld [tilespmem:s7+$0xFFFFFFE0];
	v7 =	vmul.f32 v7, v2;
	[tilespmem:s7+$0xFFFFFF70] =	vst v5  }
0x165: {  	v11 =	vmov s15;
	v5 =	vld [tilespmem:s7+$0xFFFFFFF0];
	[tilespmem:s7+$0xFFFFFF80] =	vst v4;
	v4 =	vmul.f32 v8, v2  }
0x166: {  	v8 =	vld [tilespmem:s7+$0x0];
	[tilespmem:s7+$0xFFFFFF90] =	vst v7;
	v7 =	vmul.f32 v9, v2  }
0x167: {  	v9 =	vld [tilespmem:s7+$0x10];
	[tilespmem:s7+$0xFFFFFFA0] =	vst v4;
	v4 =	vmul.f32 v10, v2  }
0x168: {  	[tilespmem:s7+$0xFFFFFFB0] =	vst v7;
	v6 =	vmul.f32 v6, v2;
	v7 =	vld [tilespmem:s7+$0x20]  }
0x169: {  	v10 =	vld [tilespmem:s7+$0x30];
	v3 =	vmul.f32 v3, v2;
	[tilespmem:s7+$0xFFFFFFC0] =	vst v4  }
0x16a: {  	v0 =	vld.idx.msk [tilespmem:v11+s29+$0x0], $0xffff;
	v2 =	vmul.f32 v5, v2;
	[tilespmem:s7+$0xFFFFFFD0] =	vst v6  }
0x16b: {  	[tilespmem:s7+$0xFFFFFFE0] =	vst v3;
	v4 =	vmul.f32 v8, v1;
	v3 =	vld [tilespmem:s7+$0x50]  }
0x16c: {  	s9 =	simm.s32 $0x4;
	[tilespmem:s7+$0xFFFFFFF0] =	vst v2;
	v5 =	vmul.f32 v9, v1;
	v2 =	vld [tilespmem:s7+$0x60]  }
0x16d: {  	s12 =	simm.s32 $0x7;
	v6 =	vmov s9;
	[tilespmem:s7+$0x0] =	vst v4;
	v8 =	vmul.f32 v7, v1;
	v7 =	vld [tilespmem:s7+$0x80]  }
0x16e: {  	s15 =	simm.s32 $0x5;
	v11 =	vand.u32 $0xFFFFFFFC, v6;
	v6 =	vld [tilespmem:s7+$0x90];
	v4 =	vmov s12;
	v9 =	vmul.f32 v10, v1;
	[tilespmem:s7+$0x10] =	vst v5  }
0x16f: {  	s8 =	simm.s32 $0x7C80;
	s9 =	simm.s32 $0x8;
	s12 =	simm.s32 $0x6;
	v10 =	vmul.f32 v63, v1;
	v5 =	vbroadcast v11, $0x0;
	v11 =	vmov s15;
	[tilespmem:s7+$0x20] =	vst v8;
	v8 =	vld [tilespmem:s7+$0xA0]  }
.LBB2_5:
0x170: {  	p0 =	slt.u32 s9, $0x4C;
	v11 =	vand.u32 $0xFFFFFFFD, v11;
	v12 =	vmov s12;
	[tilespmem:s7+$0x30] =	vst v9;
	v3 =	vmul.f32 v3, v1;
	v9 =	vld [tilespmem:s7+$0xB0]  }
0x171: {  	v11 =	vbroadcast v11, $0x0;
	v12 =	vand.u32 $0xFFFFFFFE, v12;
	[tilespmem:s7+$0x40] =	vst v10;
	v1 =	vmul.f32 v2, v1;
	v2 =	vld [tilespmem:s7+$0xC0]  }
0x172: {  	v10 =	vbroadcast v12, $0x0;
	[tilespmem:s7+$0x50] =	vst v3;
	v3 =	vmul.f32 v7, v0;
	v7 =	vld [tilespmem:s7+$0xD0]  }
0x173: {  	[tilespmem:s7+$0x60] =	vst v1;
	v1 =	vmul.f32 v6, v0;
	v6 =	vld [tilespmem:s7+$0xE0]  }
0x174: {  	[tilespmem:s7+$0x80] =	vst v3;
	v3 =	vmul.f32 v8, v0;
	v8 =	vld [tilespmem:s7+$0xF0]  }
0x175: {  	v4 =	vld.idx.msk [tilespmem:v4+s29+$0x0], $0xffff;
	[tilespmem:s7+$0x90] =	vst v1;
	v1 =	vmul.f32 v9, v0  }
0x176: {  	v5 =	vld.idx.msk [tilespmem:v5+s29+$0x0], $0xffff;
	[tilespmem:s7+$0xA0] =	vst v3;
	v2 =	vmul.f32 v2, v0  }
0x177: {  	v3 =	vld.idx.msk [tilespmem:v11+s29+$0x0], $0xffff;
	[tilespmem:s7+$0xB0] =	vst v1;
	v7 =	vmul.f32 v7, v0  }
0x178: {  	s7 =	sadd.s32 $0x200, s7;
	v1 =	vld.idx.msk [tilespmem:v10+s29+$0x0], $0xffff;
	[tilespmem:s8+$0xC0] =	vst v2;
	v2 =	vmul.f32 v6, v0  }
0x179: {  	v6 =	vld [tilespmem:s7+$0x70];
	[tilespmem:s8+$0xD0] =	vst v7;
	v8 =	vmul.f32 v8, v0  }
0x17a: {  	v7 =	vld [tilespmem:s7+$0xFFFFFF00];
	[tilespmem:s8+$0xE0] =	vst v2  }
0x17b: {  	v0 =	vmov v4;
	v2 =	vld [tilespmem:s7+$0xFFFFFF10];
	[tilespmem:s8+$0xF0] =	vst v8;
	s8 =	smov.u32 s7  }
0x17c: {  	v4 =	vld [tilespmem:s7+$0xFFFFFF20]  }
0x17d: {  	v8 =	vld [tilespmem:s7+$0xFFFFFF30]  }
0x17e: {  	v9 =	vld [tilespmem:s7+$0xFFFFFF40];
	v6 =	vmul.f32 v6, v1  }
0x17f: {  	v7 =	vmul.f32 v7, v5;
	v10 =	vld [tilespmem:s7+$0xFFFFFF50]  }
0x180: {  	v2 =	vmul.f32 v2, v5;
	v11 =	vld [tilespmem:s7+$0xFFFFFF60];
	[tilespmem:s7+$0x70] =	vst v6  }
0x181: {  	[tilespmem:s7+$0xFFFFFF00] =	vst v7;
	v4 =	vmul.f32 v4, v5;
	v6 =	vld [tilespmem:s7+$0xFFFFFF70]  }
0x182: {  	[tilespmem:s7+$0xFFFFFF10] =	vst v2;
	v2 =	vmul.f32 v8, v5;
	v7 =	vld [tilespmem:s7+$0xFFFFFF80]  }
0x183: {  	[tilespmem:s7+$0xFFFFFF20] =	vst v4;
	v4 =	vmul.f32 v9, v5;
	v8 =	vld [tilespmem:s7+$0xFFFFFF90]  }
0x184: {  	[tilespmem:s7+$0xFFFFFF30] =	vst v2;
	v2 =	vmul.f32 v10, v5;
	v9 =	vld [tilespmem:s7+$0xFFFFFFA0]  }
0x185: {  	[tilespmem:s7+$0xFFFFFF40] =	vst v4;
	v4 =	vmul.f32 v11, v5;
	v10 =	vld [tilespmem:s7+$0xFFFFFFB0]  }
0x186: {  	[tilespmem:s7+$0xFFFFFF50] =	vst v2;
	v2 =	vmul.f32 v6, v5;
	v5 =	vld [tilespmem:s7+$0xFFFFFFC0]  }
0x187: {  	[tilespmem:s7+$0xFFFFFF60] =	vst v4;
	v4 =	vmul.f32 v7, v3;
	v6 =	vld [tilespmem:s7+$0xFFFFFFD0]  }
0x188: {  	[tilespmem:s7+$0xFFFFFF70] =	vst v2;
	v2 =	vmul.f32 v8, v3;
	v7 =	vld [tilespmem:s7+$0xFFFFFFE0]  }
0x189: {  	[tilespmem:s7+$0xFFFFFF80] =	vst v4;
	v4 =	vmul.f32 v9, v3;
	v8 =	vld [tilespmem:s7+$0xFFFFFFF0]  }
0x18a: {  	[tilespmem:s7+$0xFFFFFF90] =	vst v2;
	v2 =	vmul.f32 v10, v3;
	v9 =	vld [tilespmem:s7+$0x0]  }
0x18b: {  	[tilespmem:s7+$0xFFFFFFA0] =	vst v4;
	v4 =	vmul.f32 v5, v3;
	v5 =	vld [tilespmem:s7+$0x10]  }
0x18c: {  	[tilespmem:s7+$0xFFFFFFB0] =	vst v2;
	v2 =	vmul.f32 v6, v3;
	v6 =	vld [tilespmem:s7+$0x20]  }
0x18d: {  	[tilespmem:s7+$0xFFFFFFC0] =	vst v4;
	v4 =	vmul.f32 v7, v3;
	v10 =	vld [tilespmem:s7+$0x30]  }
0x18e: {  	[tilespmem:s7+$0xFFFFFFD0] =	vst v2;
	v2 =	vmul.f32 v8, v3;
	v8 =	vld [tilespmem:s7+$0x40]  }
.Ltmp1:
0x18f: {  	[tilespmem:s7+$0xFFFFFFE0] =	vst v4;
	v4 =	vmul.f32 v9, v1;
	v3 =	vld [tilespmem:s7+$0x50];
	(pc) =	sbr.rel @p0 .LBB2_5-.Ltmp1, $4  }
0x190: {  	[tilespmem:s7+$0xFFFFFFF0] =	vst v2;
	v5 =	vmul.f32 v5, v1;
	v2 =	vld [tilespmem:s7+$0x60]  }
0x191: {  	s12 =	sadd.s32 $0x3, s9;
	v9 =	vmov s9;
	[tilespmem:s7+$0x0] =	vst v4;
	v12 =	vmul.f32 v6, v1;
	v7 =	vld [tilespmem:s7+$0x80]  }
0x192: {  	s15 =	sadd.s32 $0x1, s9;
	v11 =	vand.u32 $0xFFFFFFFC, v9;
	v4 =	vmov s12;
	[tilespmem:s7+$0x10] =	vst v5;
	v9 =	vmul.f32 v10, v1;
	v6 =	vld [tilespmem:s7+$0x90]  }
0x193: {  	s12 =	sadd.s32 $0x2, s9;
	s9 =	sadd.s32 $0x4, s9;
	v5 =	vbroadcast v11, $0x0;
	v11 =	vmov s15;
	[tilespmem:s7+$0x20] =	vst v12;
	v10 =	vmul.f32 v8, v1;
	v8 =	vld [tilespmem:s7+$0xA0]  }
0x194: {  	v12 =	vld [tilespmem:s7+$0xB0]  }
0x195: {  	v14 =	vld [tilespmem:s7+$0xC0]  }
0x196: {  	v15 =	vld [tilespmem:s7+$0xD0]  }
0x197: {  	v16 =	vld [tilespmem:s7+$0xE0]  }
0x198: {  	v44 =	vld [tilespmem:s7+$0xF0];
	[tilespmem:s7+$0x30] =	vst v9;
	v3 =	vmul.f32 v3, v1  }
0x199: {  	v4 =	vld.idx.msk [tilespmem:v4+s29+$0x0], $0xffff;
	[tilespmem:s7+$0x40] =	vst v10;
	v45 =	vmul.f32 v2, v1  }
0x19a: {  	s9 =	sadd.s32 $0x200, s7;
	v46 =	vld.idx.msk [tilespmem:v5+s29+$0x0], $0xffff;
	v7 =	vmul.f32 v7, v0;
	[tilespmem:s7+$0x50] =	vst v3  }
0x19b: {  	v51 =	vld [tilespmem:s9+$0x70];
	v47 =	vmul.f32 v6, v0;
	[tilespmem:s7+$0x60] =	vst v45  }
0x19c: {  	v53 =	vld [tilespmem:s9+$0xFFFFFF00];
	[tilespmem:s7+$0x80] =	vst v7;
	v49 =	vmul.f32 v8, v0  }
0x19d: {  	v55 =	vld [tilespmem:s9+$0xFFFFFF10];
	[tilespmem:s7+$0x90] =	vst v47;
	v50 =	vmul.f32 v12, v0  }
0x19e: {  	v11 =	vand.u32 $0xFFFFFFFD, v11;
	v57 =	vld [tilespmem:s9+$0xFFFFFF20];
	v52 =	vmul.f32 v14, v0;
	[tilespmem:s7+$0xA0] =	vst v49  }
0x19f: {  	v11 =	vbroadcast v11, $0x0;
	v59 =	vld [tilespmem:s9+$0xFFFFFF30];
	v54 =	vmul.f32 v15, v0;
	[tilespmem:s7+$0xB0] =	vst v50  }
0x1a0: {  	v60 =	vld [tilespmem:s9+$0xFFFFFF40];
	v56 =	vmul.f32 v16, v0;
	[tilespmem:s8+$0xC0] =	vst v52  }
0x1a1: {  	v63 =	vld [tilespmem:s9+$0xFFFFFF50];
	v58 =	vmul.f32 v44, v0;
	[tilespmem:s8+$0xD0] =	vst v54  }
0x1a2: {  	v15 =	vld [tilespmem:s9+$0xFFFFFF70];
	v62 =	vmul.f32 v53, v46;
	[tilespmem:s8+$0xE0] =	vst v56  }
0x1a3: {  	v16 =	vld [tilespmem:s9+$0xFFFFFF80];
	v12 =	vmul.f32 v55, v46;
	[tilespmem:s8+$0xF0] =	vst v58  }
0x1a4: {  	v44 =	vld [tilespmem:s9+$0x80];
	v14 =	vmul.f32 v57, v46;
	[tilespmem:s9+$0xFFFFFF00] =	vst v62  }
0x1a5: {  	v3 =	vmul.f32 v59, v46;
	v48 =	vld.idx.msk [tilespmem:v11+s29+$0x0], $0xffff;
	[tilespmem:s9+$0xFFFFFF10] =	vst v12  }
0x1a6: {  	v13 =	vmov s12;
	v18 =	vld [tilespmem:s9+$0xFFFFFF90];
	v17 =	vmul.f32 v60, v46;
	[tilespmem:s9+$0xFFFFFF20] =	vst v14  }
0x1a7: {  	v13 =	vand.u32 $0xFFFFFFFE, v13;
	v20 =	vld [tilespmem:s9+$0xFFFFFFA0];
	v19 =	vmul.f32 v63, v46;
	[tilespmem:s9+$0xFFFFFF30] =	vst v3  }
0x1a8: {  	v22 =	vld [tilespmem:s9+$0xFFFFFFB0];
	v13 =	vbroadcast v13, $0x0;
	[tilespmem:s9+$0xFFFFFF40] =	vst v17;
	v2 =	vmul.f32 v15, v46  }
0x1a9: {  	v23 =	vld [tilespmem:s9+$0xFFFFFFC0];
	[tilespmem:s9+$0xFFFFFF50] =	vst v19;
	v53 =	vmul.f32 v44, v4  }
0x1aa: {  	v25 =	vld [tilespmem:s9+$0xFFFFFFD0];
	v24 =	vmul.f32 v16, v48;
	[tilespmem:s9+$0xFFFFFF70] =	vst v2  }
0x1ab: {  	v26 =	vld [tilespmem:s9+$0xFFFFFFE0];
	v1 =	vmul.f32 v18, v48;
	[tilespmem:s9+$0x80] =	vst v53  }
0x1ac: {  	v28 =	vld [tilespmem:s9+$0xFFFFFFF0];
	v27 =	vmul.f32 v20, v48;
	[tilespmem:s9+$0xFFFFFF80] =	vst v24  }
0x1ad: {  	v50 =	vld [tilespmem:s9+$0xB0];
	v29 =	vmul.f32 v22, v48;
	[tilespmem:s9+$0xFFFFFF90] =	vst v1  }
0x1ae: {  	v6 =	vld.idx.msk [tilespmem:v13+s29+$0x0], $0xffff;
	v31 =	vmul.f32 v23, v48;
	[tilespmem:s9+$0xFFFFFFA0] =	vst v27  }
0x1af: {  	v13 =	vld [tilespmem:s9+$0xFFFFFF60];
	v33 =	vmul.f32 v25, v48;
	[tilespmem:s9+$0xFFFFFFB0] =	vst v29  }
0x1b0: {  	v30 =	vld [tilespmem:s9+$0x0];
	v35 =	vmul.f32 v26, v48;
	[tilespmem:s9+$0xFFFFFFC0] =	vst v31  }
0x1b1: {  	v32 =	vld [tilespmem:s9+$0x10];
	v37 =	vmul.f32 v28, v48;
	[tilespmem:s9+$0xFFFFFFD0] =	vst v33  }
0x1b2: {  	v34 =	vld [tilespmem:s9+$0x20];
	v59 =	vmul.f32 v50, v4;
	[tilespmem:s9+$0xFFFFFFE0] =	vst v35  }
0x1b3: {  	v36 =	vld [tilespmem:s9+$0x30];
	v61 =	vmul.f32 v51, v6;
	[tilespmem:s9+$0xFFFFFFF0] =	vst v37  }
0x1b4: {  	v38 =	vld [tilespmem:s9+$0x40];
	v21 =	vmul.f32 v13, v46;
	[tilespmem:s9+$0xB0] =	vst v59  }
0x1b5: {  	v40 =	vld [tilespmem:s9+$0x50];
	v39 =	vmul.f32 v30, v6;
	[tilespmem:s9+$0x70] =	vst v61  }
0x1b6: {  	v42 =	vld [tilespmem:s9+$0x60];
	v41 =	vmul.f32 v32, v6;
	[tilespmem:s9+$0xFFFFFF60] =	vst v21  }
0x1b7: {  	v52 =	vld [tilespmem:s9+$0xC0];
	v43 =	vmul.f32 v34, v6;
	[tilespmem:s9+$0x0] =	vst v39  }
0x1b8: {  	v56 =	vld [tilespmem:s9+$0xE0];
	v45 =	vmul.f32 v36, v6;
	[tilespmem:s9+$0x10] =	vst v41  }
0x1b9: {  	v58 =	vld [tilespmem:s9+$0xF0];
	v47 =	vmul.f32 v38, v6;
	[tilespmem:s9+$0x20] =	vst v43  }
0x1ba: {  	v54 =	vld [tilespmem:s9+$0xD0];
	v49 =	vmul.f32 v40, v6;
	[tilespmem:s9+$0x30] =	vst v45  }
0x1bb: {  	v48 =	vld [tilespmem:s9+$0xA0];
	v51 =	vmul.f32 v42, v6;
	[tilespmem:s9+$0x40] =	vst v47  }
0x1bc: {  	v46 =	vld [tilespmem:s9+$0x90];
	v60 =	vmul.f32 v52, v4;
	[tilespmem:s9+$0x50] =	vst v49  }
0x1bd: {  	v62 =	vmul.f32 v56, v4;
	[tilespmem:s9+$0x60] =	vst v51  }
0x1be: {  	v63 =	vmul.f32 v58, v4;
	[tilespmem:s9+$0xC0] =	vst v60  }
0x1bf: {  	v61 =	vmul.f32 v54, v4;
	[tilespmem:s9+$0xE0] =	vst v62  }
0x1c0: {  	[tilespmem:s9+$0xF0] =	vst v63;
	v57 =	vmul.f32 v48, v4  }
0x1c1: {  	s6 =	sadd.s32 $0x1, s6;
	[tilespmem:s9+$0xD0] =	vst v61;
	v55 =	vmul.f32 v46, v4  }
0x1c2: {  	p0 =	sne.s32 s6, $0x40;
	[tilespmem:s9+$0xA0] =	vst v57  }
.Ltmp2:
0x1c3: {  	[tilespmem:s9+$0x90] =	vst v55;
	(pc) =	sbr.rel @p0 .LBB2_2-.Ltmp2, $4  }
0x1c4: {  	[spmem:s2] =	stream.indirect.scatter.add.f32 [tilespmem:s26], [sflag:$0x3], $0x80, s31, s23, $0xb8;
	[tilespmem:$0x1E600] =	vst v63  }
0x1c5: {  	_ =	swait.ge [sflag:s19], $0x2800  }
0x1c6: {  	[sflag:s19] =	ssyncset.done $0x0  }
0x1c7: {  	[sflag:s19] =	ssyncadd.s32 $0xFFFFD800  }
0x1c8: {  	_ =	swait.ge [sflag:s30], $0x2800  }
0x1c9: {  	[sflag:s30] =	ssyncset.done $0x0  }
0x1ca: {  	[sflag:s30] =	ssyncadd.s32 $0xFFFFD800  }
0x1cb: {  	[bflag:$0x0] =	sbarrier.arrive $0xFFFF  }
0x1cc: {  	[hbm:s16], [sflag:s11] =	dma.local [spmem:s18], $0x50  }
0x1cd: {  	_ =	swait.ge [sflag:s19], $0x50  }
0x1ce: {  	[sflag:s19] =	ssyncset.done $0x0  }
0x1cf: {  	[sflag:s19] =	ssyncadd.s32 $0xFFFFFFB0  }
0x1d0: {  	[hbm:s17], [sflag:s11] =	dma.local [spmem:s20], $0x2800  }
0x1d1: {  	_ =	swait.ge [sflag:s19], $0x2800  }
0x1d2: {  	s10 =	sadd.s32 $0x1, s10;
	s6 =	rddreg [dreg:$0xa]  }
0x1d3: {  	p0 =	sne.s32 s10, s6  }
.Ltmp3:
0x1d4: {  	_ = 	snop;
	(pc) =	sbr.rel @p0 .LBB2_1-.Ltmp3, $3  }
0x1d5: {  	_ =	sdelay $0x1  }
0x1d6: {  	[sflag:s19] =	ssyncset.done $0x0  }
0x1d7: {  	[sflag:s19] =	ssyncadd.s32 $0xFFFFD800  }
0x1d8: {  	_ =	sfence.sel $0x180000  }
0x1d9: {  	[bflag:$0x0] =	sbarrier.arrive $0xFFFF  }
0x1da: {  	_ =	strace $0x90000047  }
0x1db: {  	s0 =	stileid.u32;
	[bflag:$0x2] =	sbarrier.arrive $0xFFFF  }
0x1dc: {  	p0 =	sne.s32 s0, $0x0;
	s0 =	rddreg [dreg:$0x4]  }
0x1dd: {  	s0 =	sadd.s32 @!p0 $0x100000, s0  }
0x1de: {  	[sflag:s0] =	ssyncadd.tile.s32 @!p0 $0x1;
	_ =	shalt  }
.Lfunc_end2:
_tile_overlayer_lowered:
.L_overlay_start_2:
0x1df: {  	(tag) =	ssettag $0x2  }
0x1e0: {  	s0 =	rddreg [dreg:$0x0];
	s2 =	stileid.u32  }
0x1e1: {  	s1 =	rddreg [dreg:$0x1];
	p0 =	sne.s32 s2, $0x0  }
0x1e2: {  	s3 =	rddreg [dreg:$0x2];
	[bflag:$0x3] =	sbarrier.arrive $0xFFFF;
	s2 =	simm.s32 @!p0 $0x1C03  }
0x1e3: {  	[timem:s3], [sflag:s2] =	dma.local @!p0 [hbm:s0], s1  }
0x1e4: {  	s0 =	simm.s32 @!p0 $0x3  }
0x1e5: {  	_ =	swait.ge @!p0 [sflag:s0], s1  }
0x1e6: {  	s1 =	ssub.s32 @!p0 $0x0, s1;
	[sflag:s0] =	ssyncset.done @!p0 $0x0  }
0x1e7: {  	[sflag:s0] =	ssyncadd.s32 @!p0 s1  }
0x1e8: {  	[bflag:$0x3] =	sbarrier.arrive $0xFFFF  }
0x1e9: {  	_ =	shalt  }

</sc_bundles>
